<compile_context>
chip_gen: v7x
topology: tpu7x:2x2x1
jax: 0.10.2.dev20260603
libtpu: 0.0.44.dev20260713+nightly
codegen_flags: <defaults>
</compile_context>

<pallas_src>
import functools

import jax
import jax.numpy as jnp
from jax import lax
from jax.experimental import pallas as pl
from jax.experimental.pallas import tpu as pltpu
from jax.experimental.pallas import tpu_sc as plsc

N_FINE = 500000
N_COARSE = 100000
DIM = 128
LANES = 16

C = 96
N_CHUNKS = N_FINE // C
TAIL = N_FINE - N_CHUNKS * C
TAIL_START = N_CHUNKS * C
NUM_WORKERS = 32
NSC_TILES = 16

Q = N_CHUNKS // NUM_WORKERS
R = N_CHUNKS % NUM_WORKERS
MAX_W_CHUNKS = Q + 1
ARENA_CHUNKS = MAX_W_CHUNKS + 1
N_SIX = -(-(MAX_W_CHUNKS + 2 - 2) // 6)


def _sc_kernel(x_hbm, up_hbm, inv_hbm, out_hbm,
               arena, iota_v, rows_t0, rows_t1, up_t0, up_t1,
               rows_s0, rows_s1, slab,
               sgt0, sgt1, sut0, sut1, sot0, sot1,
               sgs0, sgs1, sus0, sus1, sos0, sos1):
    rows_t = (rows_t0, rows_t1)
    up_t = (up_t0, up_t1)
    rows_s = (rows_s0, rows_s1)
    sgt = (sgt0, sgt1)
    sut = (sut0, sut1)
    sot = (sot0, sot1)
    sgs = (sgs0, sgs1)
    sus = (sus0, sus1)
    sos = (sos0, sos1)

    sid = lax.axis_index("s")
    wid = sid * 2 + lax.axis_index("c")

    n_w = Q + (wid < R).astype(jnp.int32)
    base = wid * Q + lax.min(wid, R)

    for l in range(C // LANES):
        iota_v[pl.ds(l * LANES, LANES)] = lax.iota(jnp.int32, LANES) + l * LANES

    pltpu.sync_copy(inv_hbm.at[pl.ds(base * C, Q * C)],
                    arena.at[pl.ds(0, Q * C)])

    @pl.when(wid < R)
    def _():
        pltpu.sync_copy(inv_hbm.at[pl.ds((base + Q) * C, C)],
                        arena.at[pl.ds(Q * C, C)])

    def exists(j):
        return j < n_w

    def start_of(j):
        return (base + j) * C

    def t_issue(j, t):
        @pl.when(exists(j))
        def _():
            @pl.when(j >= 4)
            def _():
                pltpu.make_async_copy(
                    rows_t[t], out_hbm.at[pl.ds(0, C)], sot[t]).wait()

            pltpu.async_copy(x_hbm.at[arena.at[pl.ds(j * C, C)]],
                             rows_t[t], sgt[t])
            pltpu.async_copy(up_hbm.at[pl.ds(start_of(j), C)], up_t[t], sut[t])

    def t_finish(j, t):
        @pl.when(exists(j))
        def _():
            pltpu.make_async_copy(x_hbm.at[arena.at[pl.ds(0, C)]],
                                  rows_t[t], sgt[t]).wait()
            pltpu.make_async_copy(up_hbm.at[pl.ds(0, C)],
                                  up_t[t], sut[t]).wait()

            @plsc.parallel_loop(0, C, step=1, unroll=4)
            def _add_row(r):
                for l in range(DIM // LANES):
                    sl = pl.ds(l * LANES, LANES)
                    plsc.addupdate(rows_t[t].at[r, sl], up_t[t][r, sl])

            pltpu.async_copy(rows_t[t],
                             out_hbm.at[pl.ds(start_of(j), C)], sot[t])

    def s_issue(j, s):
        @pl.when(exists(j))
        def _():
            @pl.when(j >= 4)
            def _():
                pltpu.make_async_copy(
                    slab.at[sid, s], out_hbm.at[pl.ds(0, C)], sos[s]).wait()

            pltpu.async_copy(up_hbm.at[pl.ds(start_of(j), C)],
                             slab.at[sid, s], sus[s])
            pltpu.async_copy(x_hbm.at[arena.at[pl.ds(j * C, C)]],
                             rows_s[s], sgs[s])

    def s_finish(j, s):
        @pl.when(exists(j))
        def _():
            pltpu.make_async_copy(x_hbm.at[arena.at[pl.ds(0, C)]],
                                  rows_s[s], sgs[s]).wait()
            pltpu.make_async_copy(up_hbm.at[pl.ds(0, C)],
                                  slab.at[sid, s], sus[s]).wait()
            pltpu.sync_copy(rows_s[s], slab.at[sid, s].at[iota_v], add=True)
            pltpu.async_copy(slab.at[sid, s],
                             out_hbm.at[pl.ds(start_of(j), C)], sos[s])

    t_issue(0, 0)
    s_issue(1, 0)

    def six_body(i, _):
        for bb in range(6):
            j = 2 + 6 * i + bb
            m = (2 + bb) % 3
            if m == 0:
                slot_j = (1 + (bb - 1) // 3) % 2
                t_issue(j, slot_j)
                t_finish(j - 3, 1 - slot_j)
            elif m == 1:
                s_issue(j, 0)
                s_finish(j - 2, 1)
            else:
                s_issue(j, 1)
                s_finish(j - 1, 0)
        return 0

    lax.fori_loop(0, N_SIX, six_body, 0)

    for t in range(2):
        pltpu.make_async_copy(rows_t[t], out_hbm.at[pl.ds(0, C)], sot[t]).wait()
    for s in range(2):
        pltpu.make_async_copy(
            slab.at[sid, s], out_hbm.at[pl.ds(0, C)], sos[s]).wait()

    if TAIL:
        TPW = 8
        NTW = TAIL // TPW

        @pl.when((wid >= R) & (wid < R + NTW))
        def _():
            ts = TAIL_START + (wid - R) * TPW
            spare = MAX_W_CHUNKS * C
            pltpu.sync_copy(inv_hbm.at[pl.ds(ts, TPW)],
                            arena.at[pl.ds(spare, TPW)])
            pltpu.async_copy(
                x_hbm.at[arena.at[pl.ds(spare, TPW)]],
                rows_t[0].at[pl.ds(0, TPW)], sgt[0]).wait()
            pltpu.sync_copy(up_hbm.at[pl.ds(ts, TPW)],
                            up_t[0].at[pl.ds(0, TPW)])

            @plsc.parallel_loop(0, TPW, step=1, unroll=4)
            def _add_row_tail(r):
                for l in range(DIM // LANES):
                    sl = pl.ds(l * LANES, LANES)
                    plsc.addupdate(rows_t[0].at[r, sl], up_t[0][r, sl])

            pltpu.sync_copy(rows_t[0].at[pl.ds(0, TPW)],
                            out_hbm.at[pl.ds(ts, TPW)])


@jax.jit
def _run(x_features, up_x_features, unq_inv):
    mesh = plsc.VectorSubcoreMesh(core_axis_name="c", subcore_axis_name="s")
    return pl.kernel(
        _sc_kernel,
        mesh=mesh,
        out_type=jax.ShapeDtypeStruct((N_FINE, DIM), jnp.float32),
        scratch_types=(
            [pltpu.VMEM((ARENA_CHUNKS * C,), jnp.int32),
             pltpu.VMEM((C,), jnp.int32)]
            + [pltpu.VMEM((C, DIM), jnp.float32)] * 6
            + [pltpu.VMEM_SHARED((NSC_TILES, 2, C, DIM), jnp.float32)]
            + [pltpu.SemaphoreType.DMA] * 12
        ),
    )(x_features, up_x_features, unq_inv)


def kernel(x_features, up_x_features, unq_inv):
    return _run(x_features, up_x_features, unq_inv.astype(jnp.int32))

# --- scband reference (transcript-rebuilt; emitter-appended) ---
"""Pipeline reference for scband-patch-expanding3-d-13675175870628 (READ-ONLY COPY).

The authoritative reference and input builder live on the scoring server;
editing this copy changes nothing except your own understanding.
"""

import jax, jax.numpy as jnp
import numpy as np

N_COARSE = 100000
N_FINE = 500000
DIM = 128

def setup_inputs(seed: int = 0) -> dict:
    key = jax.random.key(seed)
    k1, k2, k3 = jax.random.split(key, 3)
    x_features = jax.random.normal(k1, (N_COARSE, DIM), dtype=jnp.float32)
    up_x_features = jax.random.normal(k2, (N_FINE, DIM), dtype=jnp.float32)
    unq_inv = jax.random.randint(k3, (N_FINE,), 0, N_COARSE, dtype=jnp.int64)
    return {"x_features": x_features, "up_x_features": up_x_features, "unq_inv": unq_inv}

def reference(x_features, up_x_features, unq_inv):
    # PatchExpanding3D.forward with link=True on raw feature tensors.
    # torch.gather(x.features, 0, unq_inv.unsqueeze(1).repeat(1, c)) is a row gather:
    x_copy = jnp.take(x_features, unq_inv, axis=0)
    # link=True: up_x.features + x_copy
    out = up_x_features + x_copy
    return out

if __name__ == "__main__":
    import jax
    _d = setup_inputs()
    print(jax.jit(kernel)(*tuple(_d.values())))

</pallas_src>

<mosaic_0001>
#map = affine_map<(d0, d1) -> (0, 0)>
#map1 = affine_map<(d0, d1) -> (0)>
module attributes {stable_mosaic.version = 14 : i64} {
  func.func @_sc_kernel(%arg0: i32, %arg1: i32, %arg2: memref<100000x128xf32, #tpu.memory_space<hbm>>, %arg3: memref<500000x128xf32, #tpu.memory_space<hbm>>, %arg4: memref<500000xi32, #tpu.memory_space<hbm>>, %arg5: memref<500000x128xf32, #tpu.memory_space<hbm>>, %arg6: memref<15744xi32, #tpu.memory_space<vmem>>, %arg7: memref<96xi32, #tpu.memory_space<vmem>>, %arg8: memref<96x128xf32, #tpu.memory_space<vmem>>, %arg9: memref<96x128xf32, #tpu.memory_space<vmem>>, %arg10: memref<96x128xf32, #tpu.memory_space<vmem>>, %arg11: memref<96x128xf32, #tpu.memory_space<vmem>>, %arg12: memref<96x128xf32, #tpu.memory_space<vmem>>, %arg13: memref<96x128xf32, #tpu.memory_space<vmem>>, %arg14: memref<16x2x96x128xf32, #tpu.memory_space<vmem_shared>>, %arg15: memref<!tpu.dma_semaphore, #tpu.memory_space<semaphore_mem>>, %arg16: memref<!tpu.dma_semaphore, #tpu.memory_space<semaphore_mem>>, %arg17: memref<!tpu.dma_semaphore, #tpu.memory_space<semaphore_mem>>, %arg18: memref<!tpu.dma_semaphore, #tpu.memory_space<semaphore_mem>>, %arg19: memref<!tpu.dma_semaphore, #tpu.memory_space<semaphore_mem>>, %arg20: memref<!tpu.dma_semaphore, #tpu.memory_space<semaphore_mem>>, %arg21: memref<!tpu.dma_semaphore, #tpu.memory_space<semaphore_mem>>, %arg22: memref<!tpu.dma_semaphore, #tpu.memory_space<semaphore_mem>>, %arg23: memref<!tpu.dma_semaphore, #tpu.memory_space<semaphore_mem>>, %arg24: memref<!tpu.dma_semaphore, #tpu.memory_space<semaphore_mem>>, %arg25: memref<!tpu.dma_semaphore, #tpu.memory_space<semaphore_mem>>, %arg26: memref<!tpu.dma_semaphore, #tpu.memory_space<semaphore_mem>>) attributes {dimension_semantics = [#tpu.dimension_semantics<core_parallel>, #tpu.dimension_semantics<subcore_parallel>], iteration_bounds = array<i64: 2, 16>, scalar_prefetch = 0 : i64, scratch_operands = 21 : i64, tpu.core_type = #tpu.core_type<sc_vector_subcore>, window_params = [{transform_indices = #map}, {transform_indices = #map}, {transform_indices = #map1}, {transform_indices = #map}]} {
    %mul3A = arith.constant 2 : i32
    %mul3A_0 = arith.muli %arg1, %mul3A : i32
    %add3A = arith.addi %mul3A_0, %arg0 : i32
    %lt3A = arith.constant 24 : i32
    %lt3A_1 = arith.cmpi slt, %add3A, %lt3A : i32
    %convert_element_type3A = arith.extui %lt3A_1 : i1 to i32
    %add3A_2 = arith.constant 162 : i32
    %add3A_3 = arith.addi %add3A_2, %convert_element_type3A : i32
    %mul3A_4 = arith.constant 162 : i32
    %mul3A_5 = arith.muli %add3A, %mul3A_4 : i32
    %min3A = arith.constant 24 : i32
    %min3A_6 = arith.minsi %add3A, %min3A : i32
    %add3A_7 = arith.addi %mul3A_5, %min3A_6 : i32
    %iota3A = tpu.iota {dimensions = array<i32: 0>} : vector<16xi32>
    %add3A_8 = arith.constant 0 : i32
    %add3A_9 = vector.broadcast %add3A_8 : i32 to vector<16xi32>
    %add3A_10 = arith.addi %iota3A, %add3A_9 : vector<16xi32>
    %swap3A = arith.constant 0 : index
    %swap3A_11 = tpu.vector_load %arg7[%swap3A] {strides = array<i32>} : memref<96xi32, #tpu.memory_space<vmem>>, vector<16xi32>,
    %swap3A_12 = vector.shape_cast %swap3A_11 : vector<16xi32> to vector<16xi32>
    %swap3A_13 = vector.shape_cast %add3A_10 : vector<16xi32> to vector<16xi32>
    tpu.vector_store %arg7[%swap3A], %swap3A_13 {strides = array<i32>} : memref<96xi32, #tpu.memory_space<vmem>>, vector<16xi32>,
    %iota3A_14 = tpu.iota {dimensions = array<i32: 0>} : vector<16xi32>
    %add3A_15 = arith.constant 16 : i32
    %add3A_16 = vector.broadcast %add3A_15 : i32 to vector<16xi32>
    %add3A_17 = arith.addi %iota3A_14, %add3A_16 : vector<16xi32>
    %swap3A_18 = arith.constant 16 : index
    %swap3A_19 = tpu.vector_load %arg7[%swap3A_18] {strides = array<i32>} : memref<96xi32, #tpu.memory_space<vmem>>, vector<16xi32>,
    %swap3A_20 = vector.shape_cast %swap3A_19 : vector<16xi32> to vector<16xi32>
    %swap3A_21 = vector.shape_cast %add3A_17 : vector<16xi32> to vector<16xi32>
    tpu.vector_store %arg7[%swap3A_18], %swap3A_21 {strides = array<i32>} : memref<96xi32, #tpu.memory_space<vmem>>, vector<16xi32>,
    %iota3A_22 = tpu.iota {dimensions = array<i32: 0>} : vector<16xi32>
    %add3A_23 = arith.constant 32 : i32
    %add3A_24 = vector.broadcast %add3A_23 : i32 to vector<16xi32>
    %add3A_25 = arith.addi %iota3A_22, %add3A_24 : vector<16xi32>
    %swap3A_26 = arith.constant 32 : index
    %swap3A_27 = tpu.vector_load %arg7[%swap3A_26] {strides = array<i32>} : memref<96xi32, #tpu.memory_space<vmem>>, vector<16xi32>,
    %swap3A_28 = vector.shape_cast %swap3A_27 : vector<16xi32> to vector<16xi32>
    %swap3A_29 = vector.shape_cast %add3A_25 : vector<16xi32> to vector<16xi32>
    tpu.vector_store %arg7[%swap3A_26], %swap3A_29 {strides = array<i32>} : memref<96xi32, #tpu.memory_space<vmem>>, vector<16xi32>,
    %iota3A_30 = tpu.iota {dimensions = array<i32: 0>} : vector<16xi32>
    %add3A_31 = arith.constant 48 : i32
    %add3A_32 = vector.broadcast %add3A_31 : i32 to vector<16xi32>
    %add3A_33 = arith.addi %iota3A_30, %add3A_32 : vector<16xi32>
    %swap3A_34 = arith.constant 48 : index
    %swap3A_35 = tpu.vector_load %arg7[%swap3A_34] {strides = array<i32>} : memref<96xi32, #tpu.memory_space<vmem>>, vector<16xi32>,
    %swap3A_36 = vector.shape_cast %swap3A_35 : vector<16xi32> to vector<16xi32>
    %swap3A_37 = vector.shape_cast %add3A_33 : vector<16xi32> to vector<16xi32>
    tpu.vector_store %arg7[%swap3A_34], %swap3A_37 {strides = array<i32>} : memref<96xi32, #tpu.memory_space<vmem>>, vector<16xi32>,
    %iota3A_38 = tpu.iota {dimensions = array<i32: 0>} : vector<16xi32>
    %add3A_39 = arith.constant 64 : i32
    %add3A_40 = vector.broadcast %add3A_39 : i32 to vector<16xi32>
    %add3A_41 = arith.addi %iota3A_38, %add3A_40 : vector<16xi32>
    %swap3A_42 = arith.constant 64 : index
    %swap3A_43 = tpu.vector_load %arg7[%swap3A_42] {strides = array<i32>} : memref<96xi32, #tpu.memory_space<vmem>>, vector<16xi32>,
    %swap3A_44 = vector.shape_cast %swap3A_43 : vector<16xi32> to vector<16xi32>
    %swap3A_45 = vector.shape_cast %add3A_41 : vector<16xi32> to vector<16xi32>
    tpu.vector_store %arg7[%swap3A_42], %swap3A_45 {strides = array<i32>} : memref<96xi32, #tpu.memory_space<vmem>>, vector<16xi32>,
    %iota3A_46 = tpu.iota {dimensions = array<i32: 0>} : vector<16xi32>
    %add3A_47 = arith.constant 80 : i32
    %add3A_48 = vector.broadcast %add3A_47 : i32 to vector<16xi32>
    %add3A_49 = arith.addi %iota3A_46, %add3A_48 : vector<16xi32>
    %swap3A_50 = arith.constant 80 : index
    %swap3A_51 = tpu.vector_load %arg7[%swap3A_50] {strides = array<i32>} : memref<96xi32, #tpu.memory_space<vmem>>, vector<16xi32>,
    %swap3A_52 = vector.shape_cast %swap3A_51 : vector<16xi32> to vector<16xi32>
    %swap3A_53 = vector.shape_cast %add3A_49 : vector<16xi32> to vector<16xi32>
    tpu.vector_store %arg7[%swap3A_50], %swap3A_53 {strides = array<i32>} : memref<96xi32, #tpu.memory_space<vmem>>, vector<16xi32>,
    %mul3A_54 = arith.constant 96 : i32
    %mul3A_55 = arith.muli %add3A_7, %mul3A_54 : i32
    "tpu.region"() ({
      %run_scoped3A = tpu.sem_alloc : memref<!tpu.dma_semaphore, #tpu.memory_space<semaphore_mem>>
      %dma_start3A = arith.constant 0 : i32
      %dma_start3A_108 = tpu.memref_slice %arg6[%dma_start3A] : memref<15744xi32, #tpu.memory_space<vmem>> -> memref<15552xi32, #tpu.memory_space<vmem>>
      %dma_start3A_109 = tpu.memref_slice %arg4[%mul3A_55] : memref<500000xi32, #tpu.memory_space<hbm>> -> memref<15552xi32, #tpu.memory_space<hbm>>
      %dma_start3A_110 = arith.constant 0 : i32
      %dma_start3A_111 = tpu.memref_slice %arg6[%dma_start3A_110] : memref<15744xi32, #tpu.memory_space<vmem>> -> memref<15552xi32, #tpu.memory_space<vmem>>
      %dma_start3A_112 = tpu.memref_slice %arg4[%mul3A_55] : memref<500000xi32, #tpu.memory_space<hbm>> -> memref<15552xi32, #tpu.memory_space<hbm>>
      tpu.enqueue_dma source(%dma_start3A_112 : memref<15552xi32, #tpu.memory_space<hbm>>) target(%dma_start3A_111 : memref<15552xi32, #tpu.memory_space<vmem>>) target_semaphore(%run_scoped3A : memref<!tpu.dma_semaphore, #tpu.memory_space<semaphore_mem>>)
      %dma_wait3A_113 = arith.constant 0 : i32
      %dma_wait3A_114 = tpu.memref_slice %arg6[%dma_wait3A_113] : memref<15744xi32, #tpu.memory_space<vmem>> -> memref<15552xi32, #tpu.memory_space<vmem>>
      %dma_wait3A_115 = tpu.memref_slice %arg4[%mul3A_55] : memref<500000xi32, #tpu.memory_space<hbm>> -> memref<15552xi32, #tpu.memory_space<hbm>>
      %dma_wait3A_116 = arith.constant 0 : i32
      %dma_wait3A_117 = tpu.memref_slice %arg6[%dma_wait3A_116] : memref<15744xi32, #tpu.memory_space<vmem>> -> memref<15552xi32, #tpu.memory_space<vmem>>
      %dma_wait3A_118 = tpu.memref_slice %arg4[%mul3A_55] : memref<500000xi32, #tpu.memory_space<hbm>> -> memref<15552xi32, #tpu.memory_space<hbm>>
      tpu.wait_dma2 semaphore(%run_scoped3A : memref<!tpu.dma_semaphore, #tpu.memory_space<semaphore_mem>>) src(%dma_wait3A_118 : memref<15552xi32, #tpu.memory_space<hbm>>) dst(%dma_wait3A_117 : memref<15552xi32, #tpu.memory_space<vmem>>)
      tpu.yield
    }) : () -> ()
    %lt3A_56 = arith.constant 24 : i32
    %lt3A_57 = arith.cmpi slt, %add3A, %lt3A_56 : i32
    %convert_element_type3A_58 = arith.extui %lt3A_57 : i1 to i32
    %cond3A = arith.constant 0 : i32
    %cond3A_59 = arith.cmpi ne, %convert_element_type3A_58, %cond3A : i32
    scf.if %cond3A_59 {
      %add3A_108 = arith.constant 162 : i32
      %add3A_109 = arith.addi %add3A_7, %add3A_108 : i32
      %mul3A_110 = arith.constant 96 : i32
      %mul3A_111 = arith.muli %add3A_109, %mul3A_110 : i32
      "tpu.region"() ({
        %run_scoped3A = tpu.sem_alloc : memref<!tpu.dma_semaphore, #tpu.memory_space<semaphore_mem>>
        %dma_start3A = arith.constant 15552 : i32
        %dma_start3A_112 = tpu.memref_slice %arg6[%dma_start3A] : memref<15744xi32, #tpu.memory_space<vmem>> -> memref<96xi32, #tpu.memory_space<vmem>>
        %dma_start3A_113 = tpu.memref_slice %arg4[%mul3A_111] : memref<500000xi32, #tpu.memory_space<hbm>> -> memref<96xi32, #tpu.memory_space<hbm>>
        %dma_start3A_114 = arith.constant 15552 : i32
        %dma_start3A_115 = tpu.memref_slice %arg6[%dma_start3A_114] : memref<15744xi32, #tpu.memory_space<vmem>> -> memref<96xi32, #tpu.memory_space<vmem>>
        %dma_start3A_116 = tpu.memref_slice %arg4[%mul3A_111] : memref<500000xi32, #tpu.memory_space<hbm>> -> memref<96xi32, #tpu.memory_space<hbm>>
        tpu.enqueue_dma source(%dma_start3A_116 : memref<96xi32, #tpu.memory_space<hbm>>) target(%dma_start3A_115 : memref<96xi32, #tpu.memory_space<vmem>>) target_semaphore(%run_scoped3A : memref<!tpu.dma_semaphore, #tpu.memory_space<semaphore_mem>>)
        %dma_wait3A_117 = arith.constant 15552 : i32
        %dma_wait3A_118 = tpu.memref_slice %arg6[%dma_wait3A_117] : memref<15744xi32, #tpu.memory_space<vmem>> -> memref<96xi32, #tpu.memory_space<vmem>>
        %dma_wait3A_119 = tpu.memref_slice %arg4[%mul3A_111] : memref<500000xi32, #tpu.memory_space<hbm>> -> memref<96xi32, #tpu.memory_space<hbm>>
        %dma_wait3A_120 = arith.constant 15552 : i32
        %dma_wait3A_121 = tpu.memref_slice %arg6[%dma_wait3A_120] : memref<15744xi32, #tpu.memory_space<vmem>> -> memref<96xi32, #tpu.memory_space<vmem>>
        %dma_wait3A_122 = tpu.memref_slice %arg4[%mul3A_111] : memref<500000xi32, #tpu.memory_space<hbm>> -> memref<96xi32, #tpu.memory_space<hbm>>
        tpu.wait_dma2 semaphore(%run_scoped3A : memref<!tpu.dma_semaphore, #tpu.memory_space<semaphore_mem>>) src(%dma_wait3A_122 : memref<96xi32, #tpu.memory_space<hbm>>) dst(%dma_wait3A_121 : memref<96xi32, #tpu.memory_space<vmem>>)
        tpu.yield
      }) : () -> ()
    } else {
    }
    %gt3A = arith.constant 0 : i32
    %gt3A_60 = arith.cmpi sgt, %add3A_3, %gt3A : i32
    %convert_element_type3A_61 = arith.extui %gt3A_60 : i1 to i32
    %cond3A_62 = arith.constant 0 : i32
    %cond3A_63 = arith.cmpi ne, %convert_element_type3A_61, %cond3A_62 : i32
    scf.if %cond3A_63 {
      %dma_start3A = arith.constant 0 : i32
      %dma_start3A_108 = tpu.memref_slice %arg6[%dma_start3A] : memref<15744xi32, #tpu.memory_space<vmem>> -> memref<96xi32, #tpu.memory_space<vmem>>
      %dma_start3A_109 = arith.constant 0 : i32
      %dma_start3A_110 = arith.constant 0 : i32
      %dma_start3A_111 = tpu.memref_slice %arg2[%dma_start3A_109, %dma_start3A_110] : memref<100000x128xf32, #tpu.memory_space<hbm>> -> memref<100000x128xf32, #tpu.memory_space<hbm>>
      tpu.enqueue_indirect_dma source(%dma_start3A_111 : memref<100000x128xf32, #tpu.memory_space<hbm>>) target(%arg8 : memref<96x128xf32, #tpu.memory_space<vmem>>) offsets(%dma_start3A_108 : memref<96xi32, #tpu.memory_space<vmem>>) semaphore(%arg15 : memref<!tpu.dma_semaphore, #tpu.memory_space<semaphore_mem>>)
      %add3A_112 = arith.constant 0 : i32
      %add3A_113 = arith.addi %add3A_7, %add3A_112 : i32
      %mul3A_114 = arith.constant 96 : i32
      %mul3A_115 = arith.muli %add3A_113, %mul3A_114 : i32
      %dma_start3A_116 = arith.constant 0 : i32
      %dma_start3A_117 = tpu.memref_slice %arg3[%mul3A_115, %dma_start3A_116] : memref<500000x128xf32, #tpu.memory_space<hbm>> -> memref<96x128xf32, #tpu.memory_space<hbm>>
      %dma_start3A_118 = arith.constant 0 : i32
      %dma_start3A_119 = tpu.memref_slice %arg3[%mul3A_115, %dma_start3A_118] : memref<500000x128xf32, #tpu.memory_space<hbm>> -> memref<96x128xf32, #tpu.memory_space<hbm>>
      tpu.enqueue_dma source(%dma_start3A_119 : memref<96x128xf32, #tpu.memory_space<hbm>>) target(%arg10 : memref<96x128xf32, #tpu.memory_space<vmem>>) target_semaphore(%arg17 : memref<!tpu.dma_semaphore, #tpu.memory_space<semaphore_mem>>)
    } else {
    }
    %gt3A_64 = arith.constant 1 : i32
    %gt3A_65 = arith.cmpi sgt, %add3A_3, %gt3A_64 : i32
    %convert_element_type3A_66 = arith.extui %gt3A_65 : i1 to i32
    %cond3A_67 = arith.constant 0 : i32
    %cond3A_68 = arith.cmpi ne, %convert_element_type3A_66, %cond3A_67 : i32
    scf.if %cond3A_68 {
      %add3A_108 = arith.constant 1 : i32
      %add3A_109 = arith.addi %add3A_7, %add3A_108 : i32
      %mul3A_110 = arith.constant 96 : i32
      %mul3A_111 = arith.muli %add3A_109, %mul3A_110 : i32
      %dma_start3A = arith.constant 0 : i32
      %dma_start3A_112 = arith.constant 0 : i32
      %dma_start3A_113 = arith.constant 0 : i32
      %dma_start3A_114 = tpu.memref_slice %arg14[%arg1, %dma_start3A, %dma_start3A_112, %dma_start3A_113] : memref<16x2x96x128xf32, #tpu.memory_space<vmem_shared>> -> memref<1x1x96x128xf32, #tpu.memory_space<vmem_shared>>
      %dma_start3A_115 = tpu.memref_squeeze %dma_start3A_114 : memref<1x1x96x128xf32, #tpu.memory_space<vmem_shared>> -> memref<96x128xf32, #tpu.memory_space<vmem_shared>>
      %dma_start3A_116 = arith.constant 0 : i32
      %dma_start3A_117 = tpu.memref_slice %arg3[%mul3A_111, %dma_start3A_116] : memref<500000x128xf32, #tpu.memory_space<hbm>> -> memref<96x128xf32, #tpu.memory_space<hbm>>
      tpu.enqueue_dma source(%dma_start3A_117 : memref<96x128xf32, #tpu.memory_space<hbm>>) target(%dma_start3A_115 : memref<96x128xf32, #tpu.memory_space<vmem_shared>>) target_semaphore(%arg23 : memref<!tpu.dma_semaphore, #tpu.memory_space<semaphore_mem>>)
      %dma_start3A_118 = arith.constant 96 : i32
      %dma_start3A_119 = tpu.memref_slice %arg6[%dma_start3A_118] : memref<15744xi32, #tpu.memory_space<vmem>> -> memref<96xi32, #tpu.memory_space<vmem>>
      %dma_start3A_120 = arith.constant 0 : i32
      %dma_start3A_121 = arith.constant 0 : i32
      %dma_start3A_122 = tpu.memref_slice %arg2[%dma_start3A_120, %dma_start3A_121] : memref<100000x128xf32, #tpu.memory_space<hbm>> -> memref<100000x128xf32, #tpu.memory_space<hbm>>
      tpu.enqueue_indirect_dma source(%dma_start3A_122 : memref<100000x128xf32, #tpu.memory_space<hbm>>) target(%arg12 : memref<96x128xf32, #tpu.memory_space<vmem>>) offsets(%dma_start3A_119 : memref<96xi32, #tpu.memory_space<vmem>>) semaphore(%arg21 : memref<!tpu.dma_semaphore, #tpu.memory_space<semaphore_mem>>)
    } else {
    }
    %scan3A = arith.constant 0 : i32
    %scan3A_69 = arith.constant 0 : i32
    %scan3A_70 = arith.constant 28 : i32
    %scan3A_71 = arith.addi %scan3A_69, %scan3A_70 : i32
    %scan3A_72 = arith.constant 1 : i32
    %scan3A_73 = scf.for %scan3A_108 = %scan3A_69 to %scan3A_71 step %scan3A_72 iter_args(%scan3A_109 = %scan3A) -> (i32)  : i32 {
      %mul3A_110 = arith.constant 6 : i32
      %mul3A_111 = arith.muli %mul3A_110, %scan3A_108 : i32
      %add3A_112 = arith.constant 2 : i32
      %add3A_113 = arith.addi %add3A_112, %mul3A_111 : i32
      %add3A_114 = arith.constant 0 : i32
      %add3A_115 = arith.addi %add3A_113, %add3A_114 : i32
      %lt3A_116 = arith.cmpi slt, %add3A_115, %add3A_3 : i32
      %convert_element_type3A_117 = arith.extui %lt3A_116 : i1 to i32
      %cond3A_118 = arith.constant 0 : i32
      %cond3A_119 = arith.cmpi ne, %convert_element_type3A_117, %cond3A_118 : i32
      scf.if %cond3A_119 {
        %ge3A_206 = arith.constant 4 : i32
        %ge3A_207 = arith.cmpi sge, %add3A_115, %ge3A_206 : i32
        %convert_element_type3A_208 = arith.extui %ge3A_207 : i1 to i32
        %cond3A_209 = arith.constant 0 : i32
        %cond3A_210 = arith.cmpi ne, %convert_element_type3A_208, %cond3A_209 : i32
        scf.if %cond3A_210 {
          %dma_wait3A_226 = arith.constant 1 : i32
          %dma_wait3A_227 = arith.constant 0 : i32
          %dma_wait3A_228 = arith.constant 0 : i32
          %dma_wait3A_229 = tpu.memref_slice %arg5[%dma_wait3A_227, %dma_wait3A_228] : memref<500000x128xf32, #tpu.memory_space<hbm>> -> memref<96x128xf32, #tpu.memory_space<hbm>>
          %dma_wait3A_230 = arith.constant 0 : i32
          %dma_wait3A_231 = arith.constant 0 : i32
          %dma_wait3A_232 = tpu.memref_slice %arg14[%arg1, %dma_wait3A_226, %dma_wait3A_230, %dma_wait3A_231] : memref<16x2x96x128xf32, #tpu.memory_space<vmem_shared>> -> memref<1x1x96x128xf32, #tpu.memory_space<vmem_shared>>
          %dma_wait3A_233 = tpu.memref_squeeze %dma_wait3A_232 : memref<1x1x96x128xf32, #tpu.memory_space<vmem_shared>> -> memref<96x128xf32, #tpu.memory_space<vmem_shared>>
          tpu.wait_dma2 semaphore(%arg26 : memref<!tpu.dma_semaphore, #tpu.memory_space<semaphore_mem>>) src(%dma_wait3A_233 : memref<96x128xf32, #tpu.memory_space<vmem_shared>>) dst(%dma_wait3A_229 : memref<96x128xf32, #tpu.memory_space<hbm>>)
        } else {
        }
        %add3A_211 = arith.addi %add3A_7, %add3A_115 : i32
        %mul3A_212 = arith.constant 96 : i32
        %mul3A_213 = arith.muli %add3A_211, %mul3A_212 : i32
        %dma_start3A = arith.constant 1 : i32
        %dma_start3A_214 = arith.constant 0 : i32
        %dma_start3A_215 = arith.constant 0 : i32
        %dma_start3A_216 = tpu.memref_slice %arg14[%arg1, %dma_start3A, %dma_start3A_214, %dma_start3A_215] : memref<16x2x96x128xf32, #tpu.memory_space<vmem_shared>> -> memref<1x1x96x128xf32, #tpu.memory_space<vmem_shared>>
        %dma_start3A_217 = tpu.memref_squeeze %dma_start3A_216 : memref<1x1x96x128xf32, #tpu.memory_space<vmem_shared>> -> memref<96x128xf32, #tpu.memory_space<vmem_shared>>
        %dma_start3A_218 = arith.constant 0 : i32
        %dma_start3A_219 = tpu.memref_slice %arg3[%mul3A_213, %dma_start3A_218] : memref<500000x128xf32, #tpu.memory_space<hbm>> -> memref<96x128xf32, #tpu.memory_space<hbm>>
        tpu.enqueue_dma source(%dma_start3A_219 : memref<96x128xf32, #tpu.memory_space<hbm>>) target(%dma_start3A_217 : memref<96x128xf32, #tpu.memory_space<vmem_shared>>) target_semaphore(%arg24 : memref<!tpu.dma_semaphore, #tpu.memory_space<semaphore_mem>>)
        %mul3A_220 = arith.constant 96 : i32
        %mul3A_221 = arith.muli %add3A_115, %mul3A_220 : i32
        %dma_start3A_222 = tpu.memref_slice %arg6[%mul3A_221] : memref<15744xi32, #tpu.memory_space<vmem>> -> memref<96xi32, #tpu.memory_space<vmem>>
        %dma_start3A_223 = arith.constant 0 : i32
        %dma_start3A_224 = arith.constant 0 : i32
        %dma_start3A_225 = tpu.memref_slice %arg2[%dma_start3A_223, %dma_start3A_224] : memref<100000x128xf32, #tpu.memory_space<hbm>> -> memref<100000x128xf32, #tpu.memory_space<hbm>>
        tpu.enqueue_indirect_dma source(%dma_start3A_225 : memref<100000x128xf32, #tpu.memory_space<hbm>>) target(%arg13 : memref<96x128xf32, #tpu.memory_space<vmem>>) offsets(%dma_start3A_222 : memref<96xi32, #tpu.memory_space<vmem>>) semaphore(%arg22 : memref<!tpu.dma_semaphore, #tpu.memory_space<semaphore_mem>>)
      } else {
      }
      %sub3A = arith.constant 1 : i32
      %sub3A_120 = arith.subi %add3A_115, %sub3A : i32
      %lt3A_121 = arith.cmpi slt, %sub3A_120, %add3A_3 : i32
      %convert_element_type3A_122 = arith.extui %lt3A_121 : i1 to i32
      %cond3A_123 = arith.constant 0 : i32
      %cond3A_124 = arith.cmpi ne, %convert_element_type3A_122, %cond3A_123 : i32
      scf.if %cond3A_124 {
        %dma_wait3A_206 = arith.constant 0 : i32
        %dma_wait3A_207 = tpu.memref_slice %arg6[%dma_wait3A_206] : memref<15744xi32, #tpu.memory_space<vmem>> -> memref<96xi32, #tpu.memory_space<vmem>>
        %dma_wait3A_208 = arith.constant 0 : i32
        %dma_wait3A_209 = arith.constant 0 : i32
        %dma_wait3A_210 = tpu.memref_slice %arg2[%dma_wait3A_208, %dma_wait3A_209] : memref<100000x128xf32, #tpu.memory_space<hbm>> -> memref<100000x128xf32, #tpu.memory_space<hbm>>
        tpu.wait_indirect_dma semaphore(%arg21 : memref<!tpu.dma_semaphore, #tpu.memory_space<semaphore_mem>>) src(%dma_wait3A_210 : memref<100000x128xf32, #tpu.memory_space<hbm>>) dst(%arg12 : memref<96x128xf32, #tpu.memory_space<vmem>>)
        %dma_wait3A_211 = arith.constant 0 : i32
        %dma_wait3A_212 = arith.constant 0 : i32
        %dma_wait3A_213 = arith.constant 0 : i32
        %dma_wait3A_214 = tpu.memref_slice %arg14[%arg1, %dma_wait3A_211, %dma_wait3A_212, %dma_wait3A_213] : memref<16x2x96x128xf32, #tpu.memory_space<vmem_shared>> -> memref<1x1x96x128xf32, #tpu.memory_space<vmem_shared>>
        %dma_wait3A_215 = tpu.memref_squeeze %dma_wait3A_214 : memref<1x1x96x128xf32, #tpu.memory_space<vmem_shared>> -> memref<96x128xf32, #tpu.memory_space<vmem_shared>>
        %dma_wait3A_216 = arith.constant 0 : i32
        %dma_wait3A_217 = arith.constant 0 : i32
        %dma_wait3A_218 = tpu.memref_slice %arg3[%dma_wait3A_216, %dma_wait3A_217] : memref<500000x128xf32, #tpu.memory_space<hbm>> -> memref<96x128xf32, #tpu.memory_space<hbm>>
        tpu.wait_dma2 semaphore(%arg23 : memref<!tpu.dma_semaphore, #tpu.memory_space<semaphore_mem>>) src(%dma_wait3A_218 : memref<96x128xf32, #tpu.memory_space<hbm>>) dst(%dma_wait3A_215 : memref<96x128xf32, #tpu.memory_space<vmem_shared>>)
        %run_scoped3A = arith.constant 0 : i32
        "tpu.region"() ({
          %run_scoped3A_228 = tpu.sem_alloc : memref<!tpu.dma_semaphore, #tpu.memory_space<semaphore_mem>>
          %dma_start3A_229 = arith.constant 0 : i32
          %dma_start3A_230 = arith.constant 0 : i32
          %dma_start3A_231 = tpu.memref_slice %arg14[%arg1, %run_scoped3A, %dma_start3A_229, %dma_start3A_230] : memref<16x2x96x128xf32, #tpu.memory_space<vmem_shared>> -> memref<1x1x96x128xf32, #tpu.memory_space<vmem_shared>>
          %dma_start3A_232 = tpu.memref_squeeze %dma_start3A_231 : memref<1x1x96x128xf32, #tpu.memory_space<vmem_shared>> -> memref<96x128xf32, #tpu.memory_space<vmem_shared>>
          %dma_start3A_233 = arith.constant 0 : i32
          %dma_start3A_234 = arith.constant 0 : i32
          %dma_start3A_235 = tpu.memref_slice %dma_start3A_232[%dma_start3A_233, %dma_start3A_234] : memref<96x128xf32, #tpu.memory_space<vmem_shared>> -> memref<96x128xf32, #tpu.memory_space<vmem_shared>>
          tpu.enqueue_indirect_dma source(%arg12 : memref<96x128xf32, #tpu.memory_space<vmem>>) target(%dma_start3A_235 : memref<96x128xf32, #tpu.memory_space<vmem_shared>>) offsets(%arg7 : memref<96xi32, #tpu.memory_space<vmem>>) semaphore(%run_scoped3A_228 : memref<!tpu.dma_semaphore, #tpu.memory_space<semaphore_mem>>) {add = true}
          %dma_wait3A_236 = arith.constant 0 : i32
          %dma_wait3A_237 = arith.constant 0 : i32
          %dma_wait3A_238 = tpu.memref_slice %arg14[%arg1, %run_scoped3A, %dma_wait3A_236, %dma_wait3A_237] : memref<16x2x96x128xf32, #tpu.memory_space<vmem_shared>> -> memref<1x1x96x128xf32, #tpu.memory_space<vmem_shared>>
          %dma_wait3A_239 = tpu.memref_squeeze %dma_wait3A_238 : memref<1x1x96x128xf32, #tpu.memory_space<vmem_shared>> -> memref<96x128xf32, #tpu.memory_space<vmem_shared>>
          %dma_wait3A_240 = arith.constant 0 : i32
          %dma_wait3A_241 = arith.constant 0 : i32
          %dma_wait3A_242 = tpu.memref_slice %dma_wait3A_239[%dma_wait3A_240, %dma_wait3A_241] : memref<96x128xf32, #tpu.memory_space<vmem_shared>> -> memref<96x128xf32, #tpu.memory_space<vmem_shared>>
          tpu.wait_indirect_dma semaphore(%run_scoped3A_228 : memref<!tpu.dma_semaphore, #tpu.memory_space<semaphore_mem>>) src(%arg12 : memref<96x128xf32, #tpu.memory_space<vmem>>) dst(%dma_wait3A_242 : memref<96x128xf32, #tpu.memory_space<vmem_shared>>)
          tpu.yield
        }) : () -> ()
        %add3A_219 = arith.addi %add3A_7, %sub3A_120 : i32
        %mul3A_220 = arith.constant 96 : i32
        %mul3A_221 = arith.muli %add3A_219, %mul3A_220 : i32
        %dma_start3A = arith.constant 0 : i32
        %dma_start3A_222 = arith.constant 0 : i32
        %dma_start3A_223 = tpu.memref_slice %arg5[%mul3A_221, %dma_start3A_222] : memref<500000x128xf32, #tpu.memory_space<hbm>> -> memref<96x128xf32, #tpu.memory_space<hbm>>
        %dma_start3A_224 = arith.constant 0 : i32
        %dma_start3A_225 = arith.constant 0 : i32
        %dma_start3A_226 = tpu.memref_slice %arg14[%arg1, %dma_start3A, %dma_start3A_224, %dma_start3A_225] : memref<16x2x96x128xf32, #tpu.memory_space<vmem_shared>> -> memref<1x1x96x128xf32, #tpu.memory_space<vmem_shared>>
        %dma_start3A_227 = tpu.memref_squeeze %dma_start3A_226 : memref<1x1x96x128xf32, #tpu.memory_space<vmem_shared>> -> memref<96x128xf32, #tpu.memory_space<vmem_shared>>
        tpu.enqueue_dma source(%dma_start3A_227 : memref<96x128xf32, #tpu.memory_space<vmem_shared>>) target(%dma_start3A_223 : memref<96x128xf32, #tpu.memory_space<hbm>>) target_semaphore(%arg25 : memref<!tpu.dma_semaphore, #tpu.memory_space<semaphore_mem>>)
      } else {
      }
      %mul3A_125 = arith.constant 6 : i32
      %mul3A_126 = arith.muli %mul3A_125, %scan3A_108 : i32
      %add3A_127 = arith.constant 2 : i32
      %add3A_128 = arith.addi %add3A_127, %mul3A_126 : i32
      %add3A_129 = arith.constant 1 : i32
      %add3A_130 = arith.addi %add3A_128, %add3A_129 : i32
      %lt3A_131 = arith.cmpi slt, %add3A_130, %add3A_3 : i32
      %convert_element_type3A_132 = arith.extui %lt3A_131 : i1 to i32
      %cond3A_133 = arith.constant 0 : i32
      %cond3A_134 = arith.cmpi ne, %convert_element_type3A_132, %cond3A_133 : i32
      scf.if %cond3A_134 {
        %ge3A_206 = arith.constant 4 : i32
        %ge3A_207 = arith.cmpi sge, %add3A_130, %ge3A_206 : i32
        %convert_element_type3A_208 = arith.extui %ge3A_207 : i1 to i32
        %cond3A_209 = arith.constant 0 : i32
        %cond3A_210 = arith.cmpi ne, %convert_element_type3A_208, %cond3A_209 : i32
        scf.if %cond3A_210 {
          %dma_wait3A_223 = arith.constant 0 : i32
          %dma_wait3A_224 = arith.constant 0 : i32
          %dma_wait3A_225 = tpu.memref_slice %arg5[%dma_wait3A_223, %dma_wait3A_224] : memref<500000x128xf32, #tpu.memory_space<hbm>> -> memref<96x128xf32, #tpu.memory_space<hbm>>
          %dma_wait3A_226 = arith.constant 0 : i32
          %dma_wait3A_227 = arith.constant 0 : i32
          %dma_wait3A_228 = tpu.memref_slice %arg5[%dma_wait3A_226, %dma_wait3A_227] : memref<500000x128xf32, #tpu.memory_space<hbm>> -> memref<96x128xf32, #tpu.memory_space<hbm>>
          tpu.wait_dma2 semaphore(%arg20 : memref<!tpu.dma_semaphore, #tpu.memory_space<semaphore_mem>>) src(%arg9 : memref<96x128xf32, #tpu.memory_space<vmem>>) dst(%dma_wait3A_228 : memref<96x128xf32, #tpu.memory_space<hbm>>)
        } else {
        }
        %mul3A_211 = arith.constant 96 : i32
        %mul3A_212 = arith.muli %add3A_130, %mul3A_211 : i32
        %dma_start3A = tpu.memref_slice %arg6[%mul3A_212] : memref<15744xi32, #tpu.memory_space<vmem>> -> memref<96xi32, #tpu.memory_space<vmem>>
        %dma_start3A_213 = arith.constant 0 : i32
        %dma_start3A_214 = arith.constant 0 : i32
        %dma_start3A_215 = tpu.memref_slice %arg2[%dma_start3A_213, %dma_start3A_214] : memref<100000x128xf32, #tpu.memory_space<hbm>> -> memref<100000x128xf32, #tpu.memory_space<hbm>>
        tpu.enqueue_indirect_dma source(%dma_start3A_215 : memref<100000x128xf32, #tpu.memory_space<hbm>>) target(%arg9 : memref<96x128xf32, #tpu.memory_space<vmem>>) offsets(%dma_start3A : memref<96xi32, #tpu.memory_space<vmem>>) semaphore(%arg16 : memref<!tpu.dma_semaphore, #tpu.memory_space<semaphore_mem>>)
        %add3A_216 = arith.addi %add3A_7, %add3A_130 : i32
        %mul3A_217 = arith.constant 96 : i32
        %mul3A_218 = arith.muli %add3A_216, %mul3A_217 : i32
        %dma_start3A_219 = arith.constant 0 : i32
        %dma_start3A_220 = tpu.memref_slice %arg3[%mul3A_218, %dma_start3A_219] : memref<500000x128xf32, #tpu.memory_space<hbm>> -> memref<96x128xf32, #tpu.memory_space<hbm>>
        %dma_start3A_221 = arith.constant 0 : i32
        %dma_start3A_222 = tpu.memref_slice %arg3[%mul3A_218, %dma_start3A_221] : memref<500000x128xf32, #tpu.memory_space<hbm>> -> memref<96x128xf32, #tpu.memory_space<hbm>>
        tpu.enqueue_dma source(%dma_start3A_222 : memref<96x128xf32, #tpu.memory_space<hbm>>) target(%arg11 : memref<96x128xf32, #tpu.memory_space<vmem>>) target_semaphore(%arg18 : memref<!tpu.dma_semaphore, #tpu.memory_space<semaphore_mem>>)
      } else {
      }
      %sub3A_135 = arith.constant 3 : i32
      %sub3A_136 = arith.subi %add3A_130, %sub3A_135 : i32
      %lt3A_137 = arith.cmpi slt, %sub3A_136, %add3A_3 : i32
      %convert_element_type3A_138 = arith.extui %lt3A_137 : i1 to i32
      %cond3A_139 = arith.constant 0 : i32
      %cond3A_140 = arith.cmpi ne, %convert_element_type3A_138, %cond3A_139 : i32
      scf.if %cond3A_140 {
        %dma_wait3A_206 = arith.constant 0 : i32
        %dma_wait3A_207 = tpu.memref_slice %arg6[%dma_wait3A_206] : memref<15744xi32, #tpu.memory_space<vmem>> -> memref<96xi32, #tpu.memory_space<vmem>>
        %dma_wait3A_208 = arith.constant 0 : i32
        %dma_wait3A_209 = arith.constant 0 : i32
        %dma_wait3A_210 = tpu.memref_slice %arg2[%dma_wait3A_208, %dma_wait3A_209] : memref<100000x128xf32, #tpu.memory_space<hbm>> -> memref<100000x128xf32, #tpu.memory_space<hbm>>
        tpu.wait_indirect_dma semaphore(%arg15 : memref<!tpu.dma_semaphore, #tpu.memory_space<semaphore_mem>>) src(%dma_wait3A_210 : memref<100000x128xf32, #tpu.memory_space<hbm>>) dst(%arg8 : memref<96x128xf32, #tpu.memory_space<vmem>>)
        %dma_wait3A_211 = arith.constant 0 : i32
        %dma_wait3A_212 = arith.constant 0 : i32
        %dma_wait3A_213 = tpu.memref_slice %arg3[%dma_wait3A_211, %dma_wait3A_212] : memref<500000x128xf32, #tpu.memory_space<hbm>> -> memref<96x128xf32, #tpu.memory_space<hbm>>
        %dma_wait3A_214 = arith.constant 0 : i32
        %dma_wait3A_215 = arith.constant 0 : i32
        %dma_wait3A_216 = tpu.memref_slice %arg3[%dma_wait3A_214, %dma_wait3A_215] : memref<500000x128xf32, #tpu.memory_space<hbm>> -> memref<96x128xf32, #tpu.memory_space<hbm>>
        tpu.wait_dma2 semaphore(%arg17 : memref<!tpu.dma_semaphore, #tpu.memory_space<semaphore_mem>>) src(%dma_wait3A_216 : memref<96x128xf32, #tpu.memory_space<hbm>>) dst(%arg10 : memref<96x128xf32, #tpu.memory_space<vmem>>)
        %parallel_loop3A = arith.constant 0 : i32
        %parallel_loop3A_217 = arith.constant 96 : i32
        %parallel_loop3A_218 = arith.constant 1 : i32
        scf.for %parallel_loop3A_225 = %parallel_loop3A to %parallel_loop3A_217 step %parallel_loop3A_218  : i32 {
          %parallel_loop3A_226 = arith.index_cast %parallel_loop3A_225 : i32 to index
          %parallel_loop3A_227 = arith.constant 0 : index
          %parallel_loop3A_228 = tpu.vector_load %arg10[%parallel_loop3A_226, %parallel_loop3A_227] {strides = array<i32>} : memref<96x128xf32, #tpu.memory_space<vmem>>, vector<1x16xf32>,
          %parallel_loop3A_229 = vector.shape_cast %parallel_loop3A_228 : vector<1x16xf32> to vector<16xf32>
          %parallel_loop3A_230 = arith.index_cast %parallel_loop3A_225 : i32 to index
          %parallel_loop3A_231 = arith.constant 0 : index
          %parallel_loop3A_232 = tpu.vector_load %arg8[%parallel_loop3A_230, %parallel_loop3A_231] {strides = array<i32>} : memref<96x128xf32, #tpu.memory_space<vmem>>, vector<1x16xf32>,
          %parallel_loop3A_233 = vector.shape_cast %parallel_loop3A_232 : vector<1x16xf32> to vector<16xf32>
          %parallel_loop3A_234 = vector.shape_cast %parallel_loop3A_229 : vector<16xf32> to vector<1x16xf32>
          tpu.vector_store %arg8[%parallel_loop3A_230, %parallel_loop3A_231], %parallel_loop3A_234 {add = true, strides = array<i32>} : memref<96x128xf32, #tpu.memory_space<vmem>>, vector<1x16xf32>,
          %parallel_loop3A_235 = arith.index_cast %parallel_loop3A_225 : i32 to index
          %parallel_loop3A_236 = arith.constant 16 : index
          %parallel_loop3A_237 = tpu.vector_load %arg10[%parallel_loop3A_235, %parallel_loop3A_236] {strides = array<i32>} : memref<96x128xf32, #tpu.memory_space<vmem>>, vector<1x16xf32>,
          %parallel_loop3A_238 = vector.shape_cast %parallel_loop3A_237 : vector<1x16xf32> to vector<16xf32>
          %parallel_loop3A_239 = arith.index_cast %parallel_loop3A_225 : i32 to index
          %parallel_loop3A_240 = arith.constant 16 : index
          %parallel_loop3A_241 = tpu.vector_load %arg8[%parallel_loop3A_239, %parallel_loop3A_240] {strides = array<i32>} : memref<96x128xf32, #tpu.memory_space<vmem>>, vector<1x16xf32>,
          %parallel_loop3A_242 = vector.shape_cast %parallel_loop3A_241 : vector<1x16xf32> to vector<16xf32>
          %parallel_loop3A_243 = vector.shape_cast %parallel_loop3A_238 : vector<16xf32> to vector<1x16xf32>
          tpu.vector_store %arg8[%parallel_loop3A_239, %parallel_loop3A_240], %parallel_loop3A_243 {add = true, strides = array<i32>} : memref<96x128xf32, #tpu.memory_space<vmem>>, vector<1x16xf32>,
          %parallel_loop3A_244 = arith.index_cast %parallel_loop3A_225 : i32 to index
          %parallel_loop3A_245 = arith.constant 32 : index
          %parallel_loop3A_246 = tpu.vector_load %arg10[%parallel_loop3A_244, %parallel_loop3A_245] {strides = array<i32>} : memref<96x128xf32, #tpu.memory_space<vmem>>, vector<1x16xf32>,
          %parallel_loop3A_247 = vector.shape_cast %parallel_loop3A_246 : vector<1x16xf32> to vector<16xf32>
          %parallel_loop3A_248 = arith.index_cast %parallel_loop3A_225 : i32 to index
          %parallel_loop3A_249 = arith.constant 32 : index
          %parallel_loop3A_250 = tpu.vector_load %arg8[%parallel_loop3A_248, %parallel_loop3A_249] {strides = array<i32>} : memref<96x128xf32, #tpu.memory_space<vmem>>, vector<1x16xf32>,
          %parallel_loop3A_251 = vector.shape_cast %parallel_loop3A_250 : vector<1x16xf32> to vector<16xf32>
          %parallel_loop3A_252 = vector.shape_cast %parallel_loop3A_247 : vector<16xf32> to vector<1x16xf32>
          tpu.vector_store %arg8[%parallel_loop3A_248, %parallel_loop3A_249], %parallel_loop3A_252 {add = true, strides = array<i32>} : memref<96x128xf32, #tpu.memory_space<vmem>>, vector<1x16xf32>,
          %parallel_loop3A_253 = arith.index_cast %parallel_loop3A_225 : i32 to index
          %parallel_loop3A_254 = arith.constant 48 : index
          %parallel_loop3A_255 = tpu.vector_load %arg10[%parallel_loop3A_253, %parallel_loop3A_254] {strides = array<i32>} : memref<96x128xf32, #tpu.memory_space<vmem>>, vector<1x16xf32>,
          %parallel_loop3A_256 = vector.shape_cast %parallel_loop3A_255 : vector<1x16xf32> to vector<16xf32>
          %parallel_loop3A_257 = arith.index_cast %parallel_loop3A_225 : i32 to index
          %parallel_loop3A_258 = arith.constant 48 : index
          %parallel_loop3A_259 = tpu.vector_load %arg8[%parallel_loop3A_257, %parallel_loop3A_258] {strides = array<i32>} : memref<96x128xf32, #tpu.memory_space<vmem>>, vector<1x16xf32>,
          %parallel_loop3A_260 = vector.shape_cast %parallel_loop3A_259 : vector<1x16xf32> to vector<16xf32>
          %parallel_loop3A_261 = vector.shape_cast %parallel_loop3A_256 : vector<16xf32> to vector<1x16xf32>
          tpu.vector_store %arg8[%parallel_loop3A_257, %parallel_loop3A_258], %parallel_loop3A_261 {add = true, strides = array<i32>} : memref<96x128xf32, #tpu.memory_space<vmem>>, vector<1x16xf32>,
          %parallel_loop3A_262 = arith.index_cast %parallel_loop3A_225 : i32 to index
          %parallel_loop3A_263 = arith.constant 64 : index
          %parallel_loop3A_264 = tpu.vector_load %arg10[%parallel_loop3A_262, %parallel_loop3A_263] {strides = array<i32>} : memref<96x128xf32, #tpu.memory_space<vmem>>, vector<1x16xf32>,
          %parallel_loop3A_265 = vector.shape_cast %parallel_loop3A_264 : vector<1x16xf32> to vector<16xf32>
          %parallel_loop3A_266 = arith.index_cast %parallel_loop3A_225 : i32 to index
          %parallel_loop3A_267 = arith.constant 64 : index
          %parallel_loop3A_268 = tpu.vector_load %arg8[%parallel_loop3A_266, %parallel_loop3A_267] {strides = array<i32>} : memref<96x128xf32, #tpu.memory_space<vmem>>, vector<1x16xf32>,
          %parallel_loop3A_269 = vector.shape_cast %parallel_loop3A_268 : vector<1x16xf32> to vector<16xf32>
          %parallel_loop3A_270 = vector.shape_cast %parallel_loop3A_265 : vector<16xf32> to vector<1x16xf32>
          tpu.vector_store %arg8[%parallel_loop3A_266, %parallel_loop3A_267], %parallel_loop3A_270 {add = true, strides = array<i32>} : memref<96x128xf32, #tpu.memory_space<vmem>>, vector<1x16xf32>,
          %parallel_loop3A_271 = arith.index_cast %parallel_loop3A_225 : i32 to index
          %parallel_loop3A_272 = arith.constant 80 : index
          %parallel_loop3A_273 = tpu.vector_load %arg10[%parallel_loop3A_271, %parallel_loop3A_272] {strides = array<i32>} : memref<96x128xf32, #tpu.memory_space<vmem>>, vector<1x16xf32>,
          %parallel_loop3A_274 = vector.shape_cast %parallel_loop3A_273 : vector<1x16xf32> to vector<16xf32>
          %parallel_loop3A_275 = arith.index_cast %parallel_loop3A_225 : i32 to index
          %parallel_loop3A_276 = arith.constant 80 : index
          %parallel_loop3A_277 = tpu.vector_load %arg8[%parallel_loop3A_275, %parallel_loop3A_276] {strides = array<i32>} : memref<96x128xf32, #tpu.memory_space<vmem>>, vector<1x16xf32>,
          %parallel_loop3A_278 = vector.shape_cast %parallel_loop3A_277 : vector<1x16xf32> to vector<16xf32>
          %parallel_loop3A_279 = vector.shape_cast %parallel_loop3A_274 : vector<16xf32> to vector<1x16xf32>
          tpu.vector_store %arg8[%parallel_loop3A_275, %parallel_loop3A_276], %parallel_loop3A_279 {add = true, strides = array<i32>} : memref<96x128xf32, #tpu.memory_space<vmem>>, vector<1x16xf32>,
          %parallel_loop3A_280 = arith.index_cast %parallel_loop3A_225 : i32 to index
          %parallel_loop3A_281 = arith.constant 96 : index
          %parallel_loop3A_282 = tpu.vector_load %arg10[%parallel_loop3A_280, %parallel_loop3A_281] {strides = array<i32>} : memref<96x128xf32, #tpu.memory_space<vmem>>, vector<1x16xf32>,
          %parallel_loop3A_283 = vector.shape_cast %parallel_loop3A_282 : vector<1x16xf32> to vector<16xf32>
          %parallel_loop3A_284 = arith.index_cast %parallel_loop3A_225 : i32 to index
          %parallel_loop3A_285 = arith.constant 96 : index
          %parallel_loop3A_286 = tpu.vector_load %arg8[%parallel_loop3A_284, %parallel_loop3A_285] {strides = array<i32>} : memref<96x128xf32, #tpu.memory_space<vmem>>, vector<1x16xf32>,
          %parallel_loop3A_287 = vector.shape_cast %parallel_loop3A_286 : vector<1x16xf32> to vector<16xf32>
          %parallel_loop3A_288 = vector.shape_cast %parallel_loop3A_283 : vector<16xf32> to vector<1x16xf32>
          tpu.vector_store %arg8[%parallel_loop3A_284, %parallel_loop3A_285], %parallel_loop3A_288 {add = true, strides = array<i32>} : memref<96x128xf32, #tpu.memory_space<vmem>>, vector<1x16xf32>,
          %parallel_loop3A_289 = arith.index_cast %parallel_loop3A_225 : i32 to index
          %parallel_loop3A_290 = arith.constant 112 : index
          %parallel_loop3A_291 = tpu.vector_load %arg10[%parallel_loop3A_289, %parallel_loop3A_290] {strides = array<i32>} : memref<96x128xf32, #tpu.memory_space<vmem>>, vector<1x16xf32>,
          %parallel_loop3A_292 = vector.shape_cast %parallel_loop3A_291 : vector<1x16xf32> to vector<16xf32>
          %parallel_loop3A_293 = arith.index_cast %parallel_loop3A_225 : i32 to index
          %parallel_loop3A_294 = arith.constant 112 : index
          %parallel_loop3A_295 = tpu.vector_load %arg8[%parallel_loop3A_293, %parallel_loop3A_294] {strides = array<i32>} : memref<96x128xf32, #tpu.memory_space<vmem>>, vector<1x16xf32>,
          %parallel_loop3A_296 = vector.shape_cast %parallel_loop3A_295 : vector<1x16xf32> to vector<16xf32>
          %parallel_loop3A_297 = vector.shape_cast %parallel_loop3A_292 : vector<16xf32> to vector<1x16xf32>
          tpu.vector_store %arg8[%parallel_loop3A_293, %parallel_loop3A_294], %parallel_loop3A_297 {add = true, strides = array<i32>} : memref<96x128xf32, #tpu.memory_space<vmem>>, vector<1x16xf32>,
        } {sc.loop_unroll_factor = 4 : i64, sc.parallel_access}
        %add3A_219 = arith.addi %add3A_7, %sub3A_136 : i32
        %mul3A_220 = arith.constant 96 : i32
        %mul3A_221 = arith.muli %add3A_219, %mul3A_220 : i32
        %dma_start3A = arith.constant 0 : i32
        %dma_start3A_222 = tpu.memref_slice %arg5[%mul3A_221, %dma_start3A] : memref<500000x128xf32, #tpu.memory_space<hbm>> -> memref<96x128xf32, #tpu.memory_space<hbm>>
        %dma_start3A_223 = arith.constant 0 : i32
        %dma_start3A_224 = tpu.memref_slice %arg5[%mul3A_221, %dma_start3A_223] : memref<500000x128xf32, #tpu.memory_space<hbm>> -> memref<96x128xf32, #tpu.memory_space<hbm>>
        tpu.enqueue_dma source(%arg8 : memref<96x128xf32, #tpu.memory_space<vmem>>) target(%dma_start3A_224 : memref<96x128xf32, #tpu.memory_space<hbm>>) target_semaphore(%arg19 : memref<!tpu.dma_semaphore, #tpu.memory_space<semaphore_mem>>)
      } else {
      }
      %mul3A_141 = arith.constant 6 : i32
      %mul3A_142 = arith.muli %mul3A_141, %scan3A_108 : i32
      %add3A_143 = arith.constant 2 : i32
      %add3A_144 = arith.addi %add3A_143, %mul3A_142 : i32
      %add3A_145 = arith.constant 2 : i32
      %add3A_146 = arith.addi %add3A_144, %add3A_145 : i32
      %lt3A_147 = arith.cmpi slt, %add3A_146, %add3A_3 : i32
      %convert_element_type3A_148 = arith.extui %lt3A_147 : i1 to i32
      %cond3A_149 = arith.constant 0 : i32
      %cond3A_150 = arith.cmpi ne, %convert_element_type3A_148, %cond3A_149 : i32
      scf.if %cond3A_150 {
        %ge3A_206 = arith.constant 4 : i32
        %ge3A_207 = arith.cmpi sge, %add3A_146, %ge3A_206 : i32
        %convert_element_type3A_208 = arith.extui %ge3A_207 : i1 to i32
        %cond3A_209 = arith.constant 0 : i32
        %cond3A_210 = arith.cmpi ne, %convert_element_type3A_208, %cond3A_209 : i32
        scf.if %cond3A_210 {
          %dma_wait3A_226 = arith.constant 0 : i32
          %dma_wait3A_227 = arith.constant 0 : i32
          %dma_wait3A_228 = arith.constant 0 : i32
          %dma_wait3A_229 = tpu.memref_slice %arg5[%dma_wait3A_227, %dma_wait3A_228] : memref<500000x128xf32, #tpu.memory_space<hbm>> -> memref<96x128xf32, #tpu.memory_space<hbm>>
          %dma_wait3A_230 = arith.constant 0 : i32
          %dma_wait3A_231 = arith.constant 0 : i32
          %dma_wait3A_232 = tpu.memref_slice %arg14[%arg1, %dma_wait3A_226, %dma_wait3A_230, %dma_wait3A_231] : memref<16x2x96x128xf32, #tpu.memory_space<vmem_shared>> -> memref<1x1x96x128xf32, #tpu.memory_space<vmem_shared>>
          %dma_wait3A_233 = tpu.memref_squeeze %dma_wait3A_232 : memref<1x1x96x128xf32, #tpu.memory_space<vmem_shared>> -> memref<96x128xf32, #tpu.memory_space<vmem_shared>>
          tpu.wait_dma2 semaphore(%arg25 : memref<!tpu.dma_semaphore, #tpu.memory_space<semaphore_mem>>) src(%dma_wait3A_233 : memref<96x128xf32, #tpu.memory_space<vmem_shared>>) dst(%dma_wait3A_229 : memref<96x128xf32, #tpu.memory_space<hbm>>)
        } else {
        }
        %add3A_211 = arith.addi %add3A_7, %add3A_146 : i32
        %mul3A_212 = arith.constant 96 : i32
        %mul3A_213 = arith.muli %add3A_211, %mul3A_212 : i32
        %dma_start3A = arith.constant 0 : i32
        %dma_start3A_214 = arith.constant 0 : i32
        %dma_start3A_215 = arith.constant 0 : i32
        %dma_start3A_216 = tpu.memref_slice %arg14[%arg1, %dma_start3A, %dma_start3A_214, %dma_start3A_215] : memref<16x2x96x128xf32, #tpu.memory_space<vmem_shared>> -> memref<1x1x96x128xf32, #tpu.memory_space<vmem_shared>>
        %dma_start3A_217 = tpu.memref_squeeze %dma_start3A_216 : memref<1x1x96x128xf32, #tpu.memory_space<vmem_shared>> -> memref<96x128xf32, #tpu.memory_space<vmem_shared>>
        %dma_start3A_218 = arith.constant 0 : i32
        %dma_start3A_219 = tpu.memref_slice %arg3[%mul3A_213, %dma_start3A_218] : memref<500000x128xf32, #tpu.memory_space<hbm>> -> memref<96x128xf32, #tpu.memory_space<hbm>>
        tpu.enqueue_dma source(%dma_start3A_219 : memref<96x128xf32, #tpu.memory_space<hbm>>) target(%dma_start3A_217 : memref<96x128xf32, #tpu.memory_space<vmem_shared>>) target_semaphore(%arg23 : memref<!tpu.dma_semaphore, #tpu.memory_space<semaphore_mem>>)
        %mul3A_220 = arith.constant 96 : i32
        %mul3A_221 = arith.muli %add3A_146, %mul3A_220 : i32
        %dma_start3A_222 = tpu.memref_slice %arg6[%mul3A_221] : memref<15744xi32, #tpu.memory_space<vmem>> -> memref<96xi32, #tpu.memory_space<vmem>>
        %dma_start3A_223 = arith.constant 0 : i32
        %dma_start3A_224 = arith.constant 0 : i32
        %dma_start3A_225 = tpu.memref_slice %arg2[%dma_start3A_223, %dma_start3A_224] : memref<100000x128xf32, #tpu.memory_space<hbm>> -> memref<100000x128xf32, #tpu.memory_space<hbm>>
        tpu.enqueue_indirect_dma source(%dma_start3A_225 : memref<100000x128xf32, #tpu.memory_space<hbm>>) target(%arg12 : memref<96x128xf32, #tpu.memory_space<vmem>>) offsets(%dma_start3A_222 : memref<96xi32, #tpu.memory_space<vmem>>) semaphore(%arg21 : memref<!tpu.dma_semaphore, #tpu.memory_space<semaphore_mem>>)
      } else {
      }
      %sub3A_151 = arith.constant 2 : i32
      %sub3A_152 = arith.subi %add3A_146, %sub3A_151 : i32
      %lt3A_153 = arith.cmpi slt, %sub3A_152, %add3A_3 : i32
      %convert_element_type3A_154 = arith.extui %lt3A_153 : i1 to i32
      %cond3A_155 = arith.constant 0 : i32
      %cond3A_156 = arith.cmpi ne, %convert_element_type3A_154, %cond3A_155 : i32
      scf.if %cond3A_156 {
        %dma_wait3A_206 = arith.constant 0 : i32
        %dma_wait3A_207 = tpu.memref_slice %arg6[%dma_wait3A_206] : memref<15744xi32, #tpu.memory_space<vmem>> -> memref<96xi32, #tpu.memory_space<vmem>>
        %dma_wait3A_208 = arith.constant 0 : i32
        %dma_wait3A_209 = arith.constant 0 : i32
        %dma_wait3A_210 = tpu.memref_slice %arg2[%dma_wait3A_208, %dma_wait3A_209] : memref<100000x128xf32, #tpu.memory_space<hbm>> -> memref<100000x128xf32, #tpu.memory_space<hbm>>
        tpu.wait_indirect_dma semaphore(%arg22 : memref<!tpu.dma_semaphore, #tpu.memory_space<semaphore_mem>>) src(%dma_wait3A_210 : memref<100000x128xf32, #tpu.memory_space<hbm>>) dst(%arg13 : memref<96x128xf32, #tpu.memory_space<vmem>>)
        %dma_wait3A_211 = arith.constant 1 : i32
        %dma_wait3A_212 = arith.constant 0 : i32
        %dma_wait3A_213 = arith.constant 0 : i32
        %dma_wait3A_214 = tpu.memref_slice %arg14[%arg1, %dma_wait3A_211, %dma_wait3A_212, %dma_wait3A_213] : memref<16x2x96x128xf32, #tpu.memory_space<vmem_shared>> -> memref<1x1x96x128xf32, #tpu.memory_space<vmem_shared>>
        %dma_wait3A_215 = tpu.memref_squeeze %dma_wait3A_214 : memref<1x1x96x128xf32, #tpu.memory_space<vmem_shared>> -> memref<96x128xf32, #tpu.memory_space<vmem_shared>>
        %dma_wait3A_216 = arith.constant 0 : i32
        %dma_wait3A_217 = arith.constant 0 : i32
        %dma_wait3A_218 = tpu.memref_slice %arg3[%dma_wait3A_216, %dma_wait3A_217] : memref<500000x128xf32, #tpu.memory_space<hbm>> -> memref<96x128xf32, #tpu.memory_space<hbm>>
        tpu.wait_dma2 semaphore(%arg24 : memref<!tpu.dma_semaphore, #tpu.memory_space<semaphore_mem>>) src(%dma_wait3A_218 : memref<96x128xf32, #tpu.memory_space<hbm>>) dst(%dma_wait3A_215 : memref<96x128xf32, #tpu.memory_space<vmem_shared>>)
        %run_scoped3A = arith.constant 1 : i32
        "tpu.region"() ({
          %run_scoped3A_228 = tpu.sem_alloc : memref<!tpu.dma_semaphore, #tpu.memory_space<semaphore_mem>>
          %dma_start3A_229 = arith.constant 0 : i32
          %dma_start3A_230 = arith.constant 0 : i32
          %dma_start3A_231 = tpu.memref_slice %arg14[%arg1, %run_scoped3A, %dma_start3A_229, %dma_start3A_230] : memref<16x2x96x128xf32, #tpu.memory_space<vmem_shared>> -> memref<1x1x96x128xf32, #tpu.memory_space<vmem_shared>>
          %dma_start3A_232 = tpu.memref_squeeze %dma_start3A_231 : memref<1x1x96x128xf32, #tpu.memory_space<vmem_shared>> -> memref<96x128xf32, #tpu.memory_space<vmem_shared>>
          %dma_start3A_233 = arith.constant 0 : i32
          %dma_start3A_234 = arith.constant 0 : i32
          %dma_start3A_235 = tpu.memref_slice %dma_start3A_232[%dma_start3A_233, %dma_start3A_234] : memref<96x128xf32, #tpu.memory_space<vmem_shared>> -> memref<96x128xf32, #tpu.memory_space<vmem_shared>>
          tpu.enqueue_indirect_dma source(%arg13 : memref<96x128xf32, #tpu.memory_space<vmem>>) target(%dma_start3A_235 : memref<96x128xf32, #tpu.memory_space<vmem_shared>>) offsets(%arg7 : memref<96xi32, #tpu.memory_space<vmem>>) semaphore(%run_scoped3A_228 : memref<!tpu.dma_semaphore, #tpu.memory_space<semaphore_mem>>) {add = true}
          %dma_wait3A_236 = arith.constant 0 : i32
          %dma_wait3A_237 = arith.constant 0 : i32
          %dma_wait3A_238 = tpu.memref_slice %arg14[%arg1, %run_scoped3A, %dma_wait3A_236, %dma_wait3A_237] : memref<16x2x96x128xf32, #tpu.memory_space<vmem_shared>> -> memref<1x1x96x128xf32, #tpu.memory_space<vmem_shared>>
          %dma_wait3A_239 = tpu.memref_squeeze %dma_wait3A_238 : memref<1x1x96x128xf32, #tpu.memory_space<vmem_shared>> -> memref<96x128xf32, #tpu.memory_space<vmem_shared>>
          %dma_wait3A_240 = arith.constant 0 : i32
          %dma_wait3A_241 = arith.constant 0 : i32
          %dma_wait3A_242 = tpu.memref_slice %dma_wait3A_239[%dma_wait3A_240, %dma_wait3A_241] : memref<96x128xf32, #tpu.memory_space<vmem_shared>> -> memref<96x128xf32, #tpu.memory_space<vmem_shared>>
          tpu.wait_indirect_dma semaphore(%run_scoped3A_228 : memref<!tpu.dma_semaphore, #tpu.memory_space<semaphore_mem>>) src(%arg13 : memref<96x128xf32, #tpu.memory_space<vmem>>) dst(%dma_wait3A_242 : memref<96x128xf32, #tpu.memory_space<vmem_shared>>)
          tpu.yield
        }) : () -> ()
        %add3A_219 = arith.addi %add3A_7, %sub3A_152 : i32
        %mul3A_220 = arith.constant 96 : i32
        %mul3A_221 = arith.muli %add3A_219, %mul3A_220 : i32
        %dma_start3A = arith.constant 1 : i32
        %dma_start3A_222 = arith.constant 0 : i32
        %dma_start3A_223 = tpu.memref_slice %arg5[%mul3A_221, %dma_start3A_222] : memref<500000x128xf32, #tpu.memory_space<hbm>> -> memref<96x128xf32, #tpu.memory_space<hbm>>
        %dma_start3A_224 = arith.constant 0 : i32
        %dma_start3A_225 = arith.constant 0 : i32
        %dma_start3A_226 = tpu.memref_slice %arg14[%arg1, %dma_start3A, %dma_start3A_224, %dma_start3A_225] : memref<16x2x96x128xf32, #tpu.memory_space<vmem_shared>> -> memref<1x1x96x128xf32, #tpu.memory_space<vmem_shared>>
        %dma_start3A_227 = tpu.memref_squeeze %dma_start3A_226 : memref<1x1x96x128xf32, #tpu.memory_space<vmem_shared>> -> memref<96x128xf32, #tpu.memory_space<vmem_shared>>
        tpu.enqueue_dma source(%dma_start3A_227 : memref<96x128xf32, #tpu.memory_space<vmem_shared>>) target(%dma_start3A_223 : memref<96x128xf32, #tpu.memory_space<hbm>>) target_semaphore(%arg26 : memref<!tpu.dma_semaphore, #tpu.memory_space<semaphore_mem>>)
      } else {
      }
      %mul3A_157 = arith.constant 6 : i32
      %mul3A_158 = arith.muli %mul3A_157, %scan3A_108 : i32
      %add3A_159 = arith.constant 2 : i32
      %add3A_160 = arith.addi %add3A_159, %mul3A_158 : i32
      %add3A_161 = arith.constant 3 : i32
      %add3A_162 = arith.addi %add3A_160, %add3A_161 : i32
      %lt3A_163 = arith.cmpi slt, %add3A_162, %add3A_3 : i32
      %convert_element_type3A_164 = arith.extui %lt3A_163 : i1 to i32
      %cond3A_165 = arith.constant 0 : i32
      %cond3A_166 = arith.cmpi ne, %convert_element_type3A_164, %cond3A_165 : i32
      scf.if %cond3A_166 {
        %ge3A_206 = arith.constant 4 : i32
        %ge3A_207 = arith.cmpi sge, %add3A_162, %ge3A_206 : i32
        %convert_element_type3A_208 = arith.extui %ge3A_207 : i1 to i32
        %cond3A_209 = arith.constant 0 : i32
        %cond3A_210 = arith.cmpi ne, %convert_element_type3A_208, %cond3A_209 : i32
        scf.if %cond3A_210 {
          %dma_wait3A_226 = arith.constant 1 : i32
          %dma_wait3A_227 = arith.constant 0 : i32
          %dma_wait3A_228 = arith.constant 0 : i32
          %dma_wait3A_229 = tpu.memref_slice %arg5[%dma_wait3A_227, %dma_wait3A_228] : memref<500000x128xf32, #tpu.memory_space<hbm>> -> memref<96x128xf32, #tpu.memory_space<hbm>>
          %dma_wait3A_230 = arith.constant 0 : i32
          %dma_wait3A_231 = arith.constant 0 : i32
          %dma_wait3A_232 = tpu.memref_slice %arg14[%arg1, %dma_wait3A_226, %dma_wait3A_230, %dma_wait3A_231] : memref<16x2x96x128xf32, #tpu.memory_space<vmem_shared>> -> memref<1x1x96x128xf32, #tpu.memory_space<vmem_shared>>
          %dma_wait3A_233 = tpu.memref_squeeze %dma_wait3A_232 : memref<1x1x96x128xf32, #tpu.memory_space<vmem_shared>> -> memref<96x128xf32, #tpu.memory_space<vmem_shared>>
          tpu.wait_dma2 semaphore(%arg26 : memref<!tpu.dma_semaphore, #tpu.memory_space<semaphore_mem>>) src(%dma_wait3A_233 : memref<96x128xf32, #tpu.memory_space<vmem_shared>>) dst(%dma_wait3A_229 : memref<96x128xf32, #tpu.memory_space<hbm>>)
        } else {
        }
        %add3A_211 = arith.addi %add3A_7, %add3A_162 : i32
        %mul3A_212 = arith.constant 96 : i32
        %mul3A_213 = arith.muli %add3A_211, %mul3A_212 : i32
        %dma_start3A = arith.constant 1 : i32
        %dma_start3A_214 = arith.constant 0 : i32
        %dma_start3A_215 = arith.constant 0 : i32
        %dma_start3A_216 = tpu.memref_slice %arg14[%arg1, %dma_start3A, %dma_start3A_214, %dma_start3A_215] : memref<16x2x96x128xf32, #tpu.memory_space<vmem_shared>> -> memref<1x1x96x128xf32, #tpu.memory_space<vmem_shared>>
        %dma_start3A_217 = tpu.memref_squeeze %dma_start3A_216 : memref<1x1x96x128xf32, #tpu.memory_space<vmem_shared>> -> memref<96x128xf32, #tpu.memory_space<vmem_shared>>
        %dma_start3A_218 = arith.constant 0 : i32
        %dma_start3A_219 = tpu.memref_slice %arg3[%mul3A_213, %dma_start3A_218] : memref<500000x128xf32, #tpu.memory_space<hbm>> -> memref<96x128xf32, #tpu.memory_space<hbm>>
        tpu.enqueue_dma source(%dma_start3A_219 : memref<96x128xf32, #tpu.memory_space<hbm>>) target(%dma_start3A_217 : memref<96x128xf32, #tpu.memory_space<vmem_shared>>) target_semaphore(%arg24 : memref<!tpu.dma_semaphore, #tpu.memory_space<semaphore_mem>>)
        %mul3A_220 = arith.constant 96 : i32
        %mul3A_221 = arith.muli %add3A_162, %mul3A_220 : i32
        %dma_start3A_222 = tpu.memref_slice %arg6[%mul3A_221] : memref<15744xi32, #tpu.memory_space<vmem>> -> memref<96xi32, #tpu.memory_space<vmem>>
        %dma_start3A_223 = arith.constant 0 : i32
        %dma_start3A_224 = arith.constant 0 : i32
        %dma_start3A_225 = tpu.memref_slice %arg2[%dma_start3A_223, %dma_start3A_224] : memref<100000x128xf32, #tpu.memory_space<hbm>> -> memref<100000x128xf32, #tpu.memory_space<hbm>>
        tpu.enqueue_indirect_dma source(%dma_start3A_225 : memref<100000x128xf32, #tpu.memory_space<hbm>>) target(%arg13 : memref<96x128xf32, #tpu.memory_space<vmem>>) offsets(%dma_start3A_222 : memref<96xi32, #tpu.memory_space<vmem>>) semaphore(%arg22 : memref<!tpu.dma_semaphore, #tpu.memory_space<semaphore_mem>>)
      } else {
      }
      %sub3A_167 = arith.constant 1 : i32
      %sub3A_168 = arith.subi %add3A_162, %sub3A_167 : i32
      %lt3A_169 = arith.cmpi slt, %sub3A_168, %add3A_3 : i32
      %convert_element_type3A_170 = arith.extui %lt3A_169 : i1 to i32
      %cond3A_171 = arith.constant 0 : i32
      %cond3A_172 = arith.cmpi ne, %convert_element_type3A_170, %cond3A_171 : i32
      scf.if %cond3A_172 {
        %dma_wait3A_206 = arith.constant 0 : i32
        %dma_wait3A_207 = tpu.memref_slice %arg6[%dma_wait3A_206] : memref<15744xi32, #tpu.memory_space<vmem>> -> memref<96xi32, #tpu.memory_space<vmem>>
        %dma_wait3A_208 = arith.constant 0 : i32
        %dma_wait3A_209 = arith.constant 0 : i32
        %dma_wait3A_210 = tpu.memref_slice %arg2[%dma_wait3A_208, %dma_wait3A_209] : memref<100000x128xf32, #tpu.memory_space<hbm>> -> memref<100000x128xf32, #tpu.memory_space<hbm>>
        tpu.wait_indirect_dma semaphore(%arg21 : memref<!tpu.dma_semaphore, #tpu.memory_space<semaphore_mem>>) src(%dma_wait3A_210 : memref<100000x128xf32, #tpu.memory_space<hbm>>) dst(%arg12 : memref<96x128xf32, #tpu.memory_space<vmem>>)
        %dma_wait3A_211 = arith.constant 0 : i32
        %dma_wait3A_212 = arith.constant 0 : i32
        %dma_wait3A_213 = arith.constant 0 : i32
        %dma_wait3A_214 = tpu.memref_slice %arg14[%arg1, %dma_wait3A_211, %dma_wait3A_212, %dma_wait3A_213] : memref<16x2x96x128xf32, #tpu.memory_space<vmem_shared>> -> memref<1x1x96x128xf32, #tpu.memory_space<vmem_shared>>
        %dma_wait3A_215 = tpu.memref_squeeze %dma_wait3A_214 : memref<1x1x96x128xf32, #tpu.memory_space<vmem_shared>> -> memref<96x128xf32, #tpu.memory_space<vmem_shared>>
        %dma_wait3A_216 = arith.constant 0 : i32
        %dma_wait3A_217 = arith.constant 0 : i32
        %dma_wait3A_218 = tpu.memref_slice %arg3[%dma_wait3A_216, %dma_wait3A_217] : memref<500000x128xf32, #tpu.memory_space<hbm>> -> memref<96x128xf32, #tpu.memory_space<hbm>>
        tpu.wait_dma2 semaphore(%arg23 : memref<!tpu.dma_semaphore, #tpu.memory_space<semaphore_mem>>) src(%dma_wait3A_218 : memref<96x128xf32, #tpu.memory_space<hbm>>) dst(%dma_wait3A_215 : memref<96x128xf32, #tpu.memory_space<vmem_shared>>)
        %run_scoped3A = arith.constant 0 : i32
        "tpu.region"() ({
          %run_scoped3A_228 = tpu.sem_alloc : memref<!tpu.dma_semaphore, #tpu.memory_space<semaphore_mem>>
          %dma_start3A_229 = arith.constant 0 : i32
          %dma_start3A_230 = arith.constant 0 : i32
          %dma_start3A_231 = tpu.memref_slice %arg14[%arg1, %run_scoped3A, %dma_start3A_229, %dma_start3A_230] : memref<16x2x96x128xf32, #tpu.memory_space<vmem_shared>> -> memref<1x1x96x128xf32, #tpu.memory_space<vmem_shared>>
          %dma_start3A_232 = tpu.memref_squeeze %dma_start3A_231 : memref<1x1x96x128xf32, #tpu.memory_space<vmem_shared>> -> memref<96x128xf32, #tpu.memory_space<vmem_shared>>
          %dma_start3A_233 = arith.constant 0 : i32
          %dma_start3A_234 = arith.constant 0 : i32
          %dma_start3A_235 = tpu.memref_slice %dma_start3A_232[%dma_start3A_233, %dma_start3A_234] : memref<96x128xf32, #tpu.memory_space<vmem_shared>> -> memref<96x128xf32, #tpu.memory_space<vmem_shared>>
          tpu.enqueue_indirect_dma source(%arg12 : memref<96x128xf32, #tpu.memory_space<vmem>>) target(%dma_start3A_235 : memref<96x128xf32, #tpu.memory_space<vmem_shared>>) offsets(%arg7 : memref<96xi32, #tpu.memory_space<vmem>>) semaphore(%run_scoped3A_228 : memref<!tpu.dma_semaphore, #tpu.memory_space<semaphore_mem>>) {add = true}
          %dma_wait3A_236 = arith.constant 0 : i32
          %dma_wait3A_237 = arith.constant 0 : i32
          %dma_wait3A_238 = tpu.memref_slice %arg14[%arg1, %run_scoped3A, %dma_wait3A_236, %dma_wait3A_237] : memref<16x2x96x128xf32, #tpu.memory_space<vmem_shared>> -> memref<1x1x96x128xf32, #tpu.memory_space<vmem_shared>>
          %dma_wait3A_239 = tpu.memref_squeeze %dma_wait3A_238 : memref<1x1x96x128xf32, #tpu.memory_space<vmem_shared>> -> memref<96x128xf32, #tpu.memory_space<vmem_shared>>
          %dma_wait3A_240 = arith.constant 0 : i32
          %dma_wait3A_241 = arith.constant 0 : i32
          %dma_wait3A_242 = tpu.memref_slice %dma_wait3A_239[%dma_wait3A_240, %dma_wait3A_241] : memref<96x128xf32, #tpu.memory_space<vmem_shared>> -> memref<96x128xf32, #tpu.memory_space<vmem_shared>>
          tpu.wait_indirect_dma semaphore(%run_scoped3A_228 : memref<!tpu.dma_semaphore, #tpu.memory_space<semaphore_mem>>) src(%arg12 : memref<96x128xf32, #tpu.memory_space<vmem>>) dst(%dma_wait3A_242 : memref<96x128xf32, #tpu.memory_space<vmem_shared>>)
          tpu.yield
        }) : () -> ()
        %add3A_219 = arith.addi %add3A_7, %sub3A_168 : i32
        %mul3A_220 = arith.constant 96 : i32
        %mul3A_221 = arith.muli %add3A_219, %mul3A_220 : i32
        %dma_start3A = arith.constant 0 : i32
        %dma_start3A_222 = arith.constant 0 : i32
        %dma_start3A_223 = tpu.memref_slice %arg5[%mul3A_221, %dma_start3A_222] : memref<500000x128xf32, #tpu.memory_space<hbm>> -> memref<96x128xf32, #tpu.memory_space<hbm>>
        %dma_start3A_224 = arith.constant 0 : i32
        %dma_start3A_225 = arith.constant 0 : i32
        %dma_start3A_226 = tpu.memref_slice %arg14[%arg1, %dma_start3A, %dma_start3A_224, %dma_start3A_225] : memref<16x2x96x128xf32, #tpu.memory_space<vmem_shared>> -> memref<1x1x96x128xf32, #tpu.memory_space<vmem_shared>>
        %dma_start3A_227 = tpu.memref_squeeze %dma_start3A_226 : memref<1x1x96x128xf32, #tpu.memory_space<vmem_shared>> -> memref<96x128xf32, #tpu.memory_space<vmem_shared>>
        tpu.enqueue_dma source(%dma_start3A_227 : memref<96x128xf32, #tpu.memory_space<vmem_shared>>) target(%dma_start3A_223 : memref<96x128xf32, #tpu.memory_space<hbm>>) target_semaphore(%arg25 : memref<!tpu.dma_semaphore, #tpu.memory_space<semaphore_mem>>)
      } else {
      }
      %mul3A_173 = arith.constant 6 : i32
      %mul3A_174 = arith.muli %mul3A_173, %scan3A_108 : i32
      %add3A_175 = arith.constant 2 : i32
      %add3A_176 = arith.addi %add3A_175, %mul3A_174 : i32
      %add3A_177 = arith.constant 4 : i32
      %add3A_178 = arith.addi %add3A_176, %add3A_177 : i32
      %lt3A_179 = arith.cmpi slt, %add3A_178, %add3A_3 : i32
      %convert_element_type3A_180 = arith.extui %lt3A_179 : i1 to i32
      %cond3A_181 = arith.constant 0 : i32
      %cond3A_182 = arith.cmpi ne, %convert_element_type3A_180, %cond3A_181 : i32
      scf.if %cond3A_182 {
        %ge3A_206 = arith.constant 4 : i32
        %ge3A_207 = arith.cmpi sge, %add3A_178, %ge3A_206 : i32
        %convert_element_type3A_208 = arith.extui %ge3A_207 : i1 to i32
        %cond3A_209 = arith.constant 0 : i32
        %cond3A_210 = arith.cmpi ne, %convert_element_type3A_208, %cond3A_209 : i32
        scf.if %cond3A_210 {
          %dma_wait3A_223 = arith.constant 0 : i32
          %dma_wait3A_224 = arith.constant 0 : i32
          %dma_wait3A_225 = tpu.memref_slice %arg5[%dma_wait3A_223, %dma_wait3A_224] : memref<500000x128xf32, #tpu.memory_space<hbm>> -> memref<96x128xf32, #tpu.memory_space<hbm>>
          %dma_wait3A_226 = arith.constant 0 : i32
          %dma_wait3A_227 = arith.constant 0 : i32
          %dma_wait3A_228 = tpu.memref_slice %arg5[%dma_wait3A_226, %dma_wait3A_227] : memref<500000x128xf32, #tpu.memory_space<hbm>> -> memref<96x128xf32, #tpu.memory_space<hbm>>
          tpu.wait_dma2 semaphore(%arg19 : memref<!tpu.dma_semaphore, #tpu.memory_space<semaphore_mem>>) src(%arg8 : memref<96x128xf32, #tpu.memory_space<vmem>>) dst(%dma_wait3A_228 : memref<96x128xf32, #tpu.memory_space<hbm>>)
        } else {
        }
        %mul3A_211 = arith.constant 96 : i32
        %mul3A_212 = arith.muli %add3A_178, %mul3A_211 : i32
        %dma_start3A = tpu.memref_slice %arg6[%mul3A_212] : memref<15744xi32, #tpu.memory_space<vmem>> -> memref<96xi32, #tpu.memory_space<vmem>>
        %dma_start3A_213 = arith.constant 0 : i32
        %dma_start3A_214 = arith.constant 0 : i32
        %dma_start3A_215 = tpu.memref_slice %arg2[%dma_start3A_213, %dma_start3A_214] : memref<100000x128xf32, #tpu.memory_space<hbm>> -> memref<100000x128xf32, #tpu.memory_space<hbm>>
        tpu.enqueue_indirect_dma source(%dma_start3A_215 : memref<100000x128xf32, #tpu.memory_space<hbm>>) target(%arg8 : memref<96x128xf32, #tpu.memory_space<vmem>>) offsets(%dma_start3A : memref<96xi32, #tpu.memory_space<vmem>>) semaphore(%arg15 : memref<!tpu.dma_semaphore, #tpu.memory_space<semaphore_mem>>)
        %add3A_216 = arith.addi %add3A_7, %add3A_178 : i32
        %mul3A_217 = arith.constant 96 : i32
        %mul3A_218 = arith.muli %add3A_216, %mul3A_217 : i32
        %dma_start3A_219 = arith.constant 0 : i32
        %dma_start3A_220 = tpu.memref_slice %arg3[%mul3A_218, %dma_start3A_219] : memref<500000x128xf32, #tpu.memory_space<hbm>> -> memref<96x128xf32, #tpu.memory_space<hbm>>
        %dma_start3A_221 = arith.constant 0 : i32
        %dma_start3A_222 = tpu.memref_slice %arg3[%mul3A_218, %dma_start3A_221] : memref<500000x128xf32, #tpu.memory_space<hbm>> -> memref<96x128xf32, #tpu.memory_space<hbm>>
        tpu.enqueue_dma source(%dma_start3A_222 : memref<96x128xf32, #tpu.memory_space<hbm>>) target(%arg10 : memref<96x128xf32, #tpu.memory_space<vmem>>) target_semaphore(%arg17 : memref<!tpu.dma_semaphore, #tpu.memory_space<semaphore_mem>>)
      } else {
      }
      %sub3A_183 = arith.constant 3 : i32
      %sub3A_184 = arith.subi %add3A_178, %sub3A_183 : i32
      %lt3A_185 = arith.cmpi slt, %sub3A_184, %add3A_3 : i32
      %convert_element_type3A_186 = arith.extui %lt3A_185 : i1 to i32
      %cond3A_187 = arith.constant 0 : i32
      %cond3A_188 = arith.cmpi ne, %convert_element_type3A_186, %cond3A_187 : i32
      scf.if %cond3A_188 {
        %dma_wait3A_206 = arith.constant 0 : i32
        %dma_wait3A_207 = tpu.memref_slice %arg6[%dma_wait3A_206] : memref<15744xi32, #tpu.memory_space<vmem>> -> memref<96xi32, #tpu.memory_space<vmem>>
        %dma_wait3A_208 = arith.constant 0 : i32
        %dma_wait3A_209 = arith.constant 0 : i32
        %dma_wait3A_210 = tpu.memref_slice %arg2[%dma_wait3A_208, %dma_wait3A_209] : memref<100000x128xf32, #tpu.memory_space<hbm>> -> memref<100000x128xf32, #tpu.memory_space<hbm>>
        tpu.wait_indirect_dma semaphore(%arg16 : memref<!tpu.dma_semaphore, #tpu.memory_space<semaphore_mem>>) src(%dma_wait3A_210 : memref<100000x128xf32, #tpu.memory_space<hbm>>) dst(%arg9 : memref<96x128xf32, #tpu.memory_space<vmem>>)
        %dma_wait3A_211 = arith.constant 0 : i32
        %dma_wait3A_212 = arith.constant 0 : i32
        %dma_wait3A_213 = tpu.memref_slice %arg3[%dma_wait3A_211, %dma_wait3A_212] : memref<500000x128xf32, #tpu.memory_space<hbm>> -> memref<96x128xf32, #tpu.memory_space<hbm>>
        %dma_wait3A_214 = arith.constant 0 : i32
        %dma_wait3A_215 = arith.constant 0 : i32
        %dma_wait3A_216 = tpu.memref_slice %arg3[%dma_wait3A_214, %dma_wait3A_215] : memref<500000x128xf32, #tpu.memory_space<hbm>> -> memref<96x128xf32, #tpu.memory_space<hbm>>
        tpu.wait_dma2 semaphore(%arg18 : memref<!tpu.dma_semaphore, #tpu.memory_space<semaphore_mem>>) src(%dma_wait3A_216 : memref<96x128xf32, #tpu.memory_space<hbm>>) dst(%arg11 : memref<96x128xf32, #tpu.memory_space<vmem>>)
        %parallel_loop3A = arith.constant 0 : i32
        %parallel_loop3A_217 = arith.constant 96 : i32
        %parallel_loop3A_218 = arith.constant 1 : i32
        scf.for %parallel_loop3A_225 = %parallel_loop3A to %parallel_loop3A_217 step %parallel_loop3A_218  : i32 {
          %parallel_loop3A_226 = arith.index_cast %parallel_loop3A_225 : i32 to index
          %parallel_loop3A_227 = arith.constant 0 : index
          %parallel_loop3A_228 = tpu.vector_load %arg11[%parallel_loop3A_226, %parallel_loop3A_227] {strides = array<i32>} : memref<96x128xf32, #tpu.memory_space<vmem>>, vector<1x16xf32>,
          %parallel_loop3A_229 = vector.shape_cast %parallel_loop3A_228 : vector<1x16xf32> to vector<16xf32>
          %parallel_loop3A_230 = arith.index_cast %parallel_loop3A_225 : i32 to index
          %parallel_loop3A_231 = arith.constant 0 : index
          %parallel_loop3A_232 = tpu.vector_load %arg9[%parallel_loop3A_230, %parallel_loop3A_231] {strides = array<i32>} : memref<96x128xf32, #tpu.memory_space<vmem>>, vector<1x16xf32>,
          %parallel_loop3A_233 = vector.shape_cast %parallel_loop3A_232 : vector<1x16xf32> to vector<16xf32>
          %parallel_loop3A_234 = vector.shape_cast %parallel_loop3A_229 : vector<16xf32> to vector<1x16xf32>
          tpu.vector_store %arg9[%parallel_loop3A_230, %parallel_loop3A_231], %parallel_loop3A_234 {add = true, strides = array<i32>} : memref<96x128xf32, #tpu.memory_space<vmem>>, vector<1x16xf32>,
          %parallel_loop3A_235 = arith.index_cast %parallel_loop3A_225 : i32 to index
          %parallel_loop3A_236 = arith.constant 16 : index
          %parallel_loop3A_237 = tpu.vector_load %arg11[%parallel_loop3A_235, %parallel_loop3A_236] {strides = array<i32>} : memref<96x128xf32, #tpu.memory_space<vmem>>, vector<1x16xf32>,
          %parallel_loop3A_238 = vector.shape_cast %parallel_loop3A_237 : vector<1x16xf32> to vector<16xf32>
          %parallel_loop3A_239 = arith.index_cast %parallel_loop3A_225 : i32 to index
          %parallel_loop3A_240 = arith.constant 16 : index
          %parallel_loop3A_241 = tpu.vector_load %arg9[%parallel_loop3A_239, %parallel_loop3A_240] {strides = array<i32>} : memref<96x128xf32, #tpu.memory_space<vmem>>, vector<1x16xf32>,
          %parallel_loop3A_242 = vector.shape_cast %parallel_loop3A_241 : vector<1x16xf32> to vector<16xf32>
          %parallel_loop3A_243 = vector.shape_cast %parallel_loop3A_238 : vector<16xf32> to vector<1x16xf32>
          tpu.vector_store %arg9[%parallel_loop3A_239, %parallel_loop3A_240], %parallel_loop3A_243 {add = true, strides = array<i32>} : memref<96x128xf32, #tpu.memory_space<vmem>>, vector<1x16xf32>,
          %parallel_loop3A_244 = arith.index_cast %parallel_loop3A_225 : i32 to index
          %parallel_loop3A_245 = arith.constant 32 : index
          %parallel_loop3A_246 = tpu.vector_load %arg11[%parallel_loop3A_244, %parallel_loop3A_245] {strides = array<i32>} : memref<96x128xf32, #tpu.memory_space<vmem>>, vector<1x16xf32>,
          %parallel_loop3A_247 = vector.shape_cast %parallel_loop3A_246 : vector<1x16xf32> to vector<16xf32>
          %parallel_loop3A_248 = arith.index_cast %parallel_loop3A_225 : i32 to index
          %parallel_loop3A_249 = arith.constant 32 : index
          %parallel_loop3A_250 = tpu.vector_load %arg9[%parallel_loop3A_248, %parallel_loop3A_249] {strides = array<i32>} : memref<96x128xf32, #tpu.memory_space<vmem>>, vector<1x16xf32>,
          %parallel_loop3A_251 = vector.shape_cast %parallel_loop3A_250 : vector<1x16xf32> to vector<16xf32>
          %parallel_loop3A_252 = vector.shape_cast %parallel_loop3A_247 : vector<16xf32> to vector<1x16xf32>
          tpu.vector_store %arg9[%parallel_loop3A_248, %parallel_loop3A_249], %parallel_loop3A_252 {add = true, strides = array<i32>} : memref<96x128xf32, #tpu.memory_space<vmem>>, vector<1x16xf32>,
          %parallel_loop3A_253 = arith.index_cast %parallel_loop3A_225 : i32 to index
          %parallel_loop3A_254 = arith.constant 48 : index
          %parallel_loop3A_255 = tpu.vector_load %arg11[%parallel_loop3A_253, %parallel_loop3A_254] {strides = array<i32>} : memref<96x128xf32, #tpu.memory_space<vmem>>, vector<1x16xf32>,
          %parallel_loop3A_256 = vector.shape_cast %parallel_loop3A_255 : vector<1x16xf32> to vector<16xf32>
          %parallel_loop3A_257 = arith.index_cast %parallel_loop3A_225 : i32 to index
          %parallel_loop3A_258 = arith.constant 48 : index
          %parallel_loop3A_259 = tpu.vector_load %arg9[%parallel_loop3A_257, %parallel_loop3A_258] {strides = array<i32>} : memref<96x128xf32, #tpu.memory_space<vmem>>, vector<1x16xf32>,
          %parallel_loop3A_260 = vector.shape_cast %parallel_loop3A_259 : vector<1x16xf32> to vector<16xf32>
          %parallel_loop3A_261 = vector.shape_cast %parallel_loop3A_256 : vector<16xf32> to vector<1x16xf32>
          tpu.vector_store %arg9[%parallel_loop3A_257, %parallel_loop3A_258], %parallel_loop3A_261 {add = true, strides = array<i32>} : memref<96x128xf32, #tpu.memory_space<vmem>>, vector<1x16xf32>,
          %parallel_loop3A_262 = arith.index_cast %parallel_loop3A_225 : i32 to index
          %parallel_loop3A_263 = arith.constant 64 : index
          %parallel_loop3A_264 = tpu.vector_load %arg11[%parallel_loop3A_262, %parallel_loop3A_263] {strides = array<i32>} : memref<96x128xf32, #tpu.memory_space<vmem>>, vector<1x16xf32>,
          %parallel_loop3A_265 = vector.shape_cast %parallel_loop3A_264 : vector<1x16xf32> to vector<16xf32>
          %parallel_loop3A_266 = arith.index_cast %parallel_loop3A_225 : i32 to index
          %parallel_loop3A_267 = arith.constant 64 : index
          %parallel_loop3A_268 = tpu.vector_load %arg9[%parallel_loop3A_266, %parallel_loop3A_267] {strides = array<i32>} : memref<96x128xf32, #tpu.memory_space<vmem>>, vector<1x16xf32>,
          %parallel_loop3A_269 = vector.shape_cast %parallel_loop3A_268 : vector<1x16xf32> to vector<16xf32>
          %parallel_loop3A_270 = vector.shape_cast %parallel_loop3A_265 : vector<16xf32> to vector<1x16xf32>
          tpu.vector_store %arg9[%parallel_loop3A_266, %parallel_loop3A_267], %parallel_loop3A_270 {add = true, strides = array<i32>} : memref<96x128xf32, #tpu.memory_space<vmem>>, vector<1x16xf32>,
          %parallel_loop3A_271 = arith.index_cast %parallel_loop3A_225 : i32 to index
          %parallel_loop3A_272 = arith.constant 80 : index
          %parallel_loop3A_273 = tpu.vector_load %arg11[%parallel_loop3A_271, %parallel_loop3A_272] {strides = array<i32>} : memref<96x128xf32, #tpu.memory_space<vmem>>, vector<1x16xf32>,
          %parallel_loop3A_274 = vector.shape_cast %parallel_loop3A_273 : vector<1x16xf32> to vector<16xf32>
          %parallel_loop3A_275 = arith.index_cast %parallel_loop3A_225 : i32 to index
          %parallel_loop3A_276 = arith.constant 80 : index
          %parallel_loop3A_277 = tpu.vector_load %arg9[%parallel_loop3A_275, %parallel_loop3A_276] {strides = array<i32>} : memref<96x128xf32, #tpu.memory_space<vmem>>, vector<1x16xf32>,
          %parallel_loop3A_278 = vector.shape_cast %parallel_loop3A_277 : vector<1x16xf32> to vector<16xf32>
          %parallel_loop3A_279 = vector.shape_cast %parallel_loop3A_274 : vector<16xf32> to vector<1x16xf32>
          tpu.vector_store %arg9[%parallel_loop3A_275, %parallel_loop3A_276], %parallel_loop3A_279 {add = true, strides = array<i32>} : memref<96x128xf32, #tpu.memory_space<vmem>>, vector<1x16xf32>,
          %parallel_loop3A_280 = arith.index_cast %parallel_loop3A_225 : i32 to index
          %parallel_loop3A_281 = arith.constant 96 : index
          %parallel_loop3A_282 = tpu.vector_load %arg11[%parallel_loop3A_280, %parallel_loop3A_281] {strides = array<i32>} : memref<96x128xf32, #tpu.memory_space<vmem>>, vector<1x16xf32>,
          %parallel_loop3A_283 = vector.shape_cast %parallel_loop3A_282 : vector<1x16xf32> to vector<16xf32>
          %parallel_loop3A_284 = arith.index_cast %parallel_loop3A_225 : i32 to index
          %parallel_loop3A_285 = arith.constant 96 : index
          %parallel_loop3A_286 = tpu.vector_load %arg9[%parallel_loop3A_284, %parallel_loop3A_285] {strides = array<i32>} : memref<96x128xf32, #tpu.memory_space<vmem>>, vector<1x16xf32>,
          %parallel_loop3A_287 = vector.shape_cast %parallel_loop3A_286 : vector<1x16xf32> to vector<16xf32>
          %parallel_loop3A_288 = vector.shape_cast %parallel_loop3A_283 : vector<16xf32> to vector<1x16xf32>
          tpu.vector_store %arg9[%parallel_loop3A_284, %parallel_loop3A_285], %parallel_loop3A_288 {add = true, strides = array<i32>} : memref<96x128xf32, #tpu.memory_space<vmem>>, vector<1x16xf32>,
          %parallel_loop3A_289 = arith.index_cast %parallel_loop3A_225 : i32 to index
          %parallel_loop3A_290 = arith.constant 112 : index
          %parallel_loop3A_291 = tpu.vector_load %arg11[%parallel_loop3A_289, %parallel_loop3A_290] {strides = array<i32>} : memref<96x128xf32, #tpu.memory_space<vmem>>, vector<1x16xf32>,
          %parallel_loop3A_292 = vector.shape_cast %parallel_loop3A_291 : vector<1x16xf32> to vector<16xf32>
          %parallel_loop3A_293 = arith.index_cast %parallel_loop3A_225 : i32 to index
          %parallel_loop3A_294 = arith.constant 112 : index
          %parallel_loop3A_295 = tpu.vector_load %arg9[%parallel_loop3A_293, %parallel_loop3A_294] {strides = array<i32>} : memref<96x128xf32, #tpu.memory_space<vmem>>, vector<1x16xf32>,
          %parallel_loop3A_296 = vector.shape_cast %parallel_loop3A_295 : vector<1x16xf32> to vector<16xf32>
          %parallel_loop3A_297 = vector.shape_cast %parallel_loop3A_292 : vector<16xf32> to vector<1x16xf32>
          tpu.vector_store %arg9[%parallel_loop3A_293, %parallel_loop3A_294], %parallel_loop3A_297 {add = true, strides = array<i32>} : memref<96x128xf32, #tpu.memory_space<vmem>>, vector<1x16xf32>,
        } {sc.loop_unroll_factor = 4 : i64, sc.parallel_access}
        %add3A_219 = arith.addi %add3A_7, %sub3A_184 : i32
        %mul3A_220 = arith.constant 96 : i32
        %mul3A_221 = arith.muli %add3A_219, %mul3A_220 : i32
        %dma_start3A = arith.constant 0 : i32
        %dma_start3A_222 = tpu.memref_slice %arg5[%mul3A_221, %dma_start3A] : memref<500000x128xf32, #tpu.memory_space<hbm>> -> memref<96x128xf32, #tpu.memory_space<hbm>>
        %dma_start3A_223 = arith.constant 0 : i32
        %dma_start3A_224 = tpu.memref_slice %arg5[%mul3A_221, %dma_start3A_223] : memref<500000x128xf32, #tpu.memory_space<hbm>> -> memref<96x128xf32, #tpu.memory_space<hbm>>
        tpu.enqueue_dma source(%arg9 : memref<96x128xf32, #tpu.memory_space<vmem>>) target(%dma_start3A_224 : memref<96x128xf32, #tpu.memory_space<hbm>>) target_semaphore(%arg20 : memref<!tpu.dma_semaphore, #tpu.memory_space<semaphore_mem>>)
      } else {
      }
      %mul3A_189 = arith.constant 6 : i32
      %mul3A_190 = arith.muli %mul3A_189, %scan3A_108 : i32
      %add3A_191 = arith.constant 2 : i32
      %add3A_192 = arith.addi %add3A_191, %mul3A_190 : i32
      %add3A_193 = arith.constant 5 : i32
      %add3A_194 = arith.addi %add3A_192, %add3A_193 : i32
      %lt3A_195 = arith.cmpi slt, %add3A_194, %add3A_3 : i32
      %convert_element_type3A_196 = arith.extui %lt3A_195 : i1 to i32
      %cond3A_197 = arith.constant 0 : i32
      %cond3A_198 = arith.cmpi ne, %convert_element_type3A_196, %cond3A_197 : i32
      scf.if %cond3A_198 {
        %ge3A_206 = arith.constant 4 : i32
        %ge3A_207 = arith.cmpi sge, %add3A_194, %ge3A_206 : i32
        %convert_element_type3A_208 = arith.extui %ge3A_207 : i1 to i32
        %cond3A_209 = arith.constant 0 : i32
        %cond3A_210 = arith.cmpi ne, %convert_element_type3A_208, %cond3A_209 : i32
        scf.if %cond3A_210 {
          %dma_wait3A_226 = arith.constant 0 : i32
          %dma_wait3A_227 = arith.constant 0 : i32
          %dma_wait3A_228 = arith.constant 0 : i32
          %dma_wait3A_229 = tpu.memref_slice %arg5[%dma_wait3A_227, %dma_wait3A_228] : memref<500000x128xf32, #tpu.memory_space<hbm>> -> memref<96x128xf32, #tpu.memory_space<hbm>>
          %dma_wait3A_230 = arith.constant 0 : i32
          %dma_wait3A_231 = arith.constant 0 : i32
          %dma_wait3A_232 = tpu.memref_slice %arg14[%arg1, %dma_wait3A_226, %dma_wait3A_230, %dma_wait3A_231] : memref<16x2x96x128xf32, #tpu.memory_space<vmem_shared>> -> memref<1x1x96x128xf32, #tpu.memory_space<vmem_shared>>
          %dma_wait3A_233 = tpu.memref_squeeze %dma_wait3A_232 : memref<1x1x96x128xf32, #tpu.memory_space<vmem_shared>> -> memref<96x128xf32, #tpu.memory_space<vmem_shared>>
          tpu.wait_dma2 semaphore(%arg25 : memref<!tpu.dma_semaphore, #tpu.memory_space<semaphore_mem>>) src(%dma_wait3A_233 : memref<96x128xf32, #tpu.memory_space<vmem_shared>>) dst(%dma_wait3A_229 : memref<96x128xf32, #tpu.memory_space<hbm>>)
        } else {
        }
        %add3A_211 = arith.addi %add3A_7, %add3A_194 : i32
        %mul3A_212 = arith.constant 96 : i32
        %mul3A_213 = arith.muli %add3A_211, %mul3A_212 : i32
        %dma_start3A = arith.constant 0 : i32
        %dma_start3A_214 = arith.constant 0 : i32
        %dma_start3A_215 = arith.constant 0 : i32
        %dma_start3A_216 = tpu.memref_slice %arg14[%arg1, %dma_start3A, %dma_start3A_214, %dma_start3A_215] : memref<16x2x96x128xf32, #tpu.memory_space<vmem_shared>> -> memref<1x1x96x128xf32, #tpu.memory_space<vmem_shared>>
        %dma_start3A_217 = tpu.memref_squeeze %dma_start3A_216 : memref<1x1x96x128xf32, #tpu.memory_space<vmem_shared>> -> memref<96x128xf32, #tpu.memory_space<vmem_shared>>
        %dma_start3A_218 = arith.constant 0 : i32
        %dma_start3A_219 = tpu.memref_slice %arg3[%mul3A_213, %dma_start3A_218] : memref<500000x128xf32, #tpu.memory_space<hbm>> -> memref<96x128xf32, #tpu.memory_space<hbm>>
        tpu.enqueue_dma source(%dma_start3A_219 : memref<96x128xf32, #tpu.memory_space<hbm>>) target(%dma_start3A_217 : memref<96x128xf32, #tpu.memory_space<vmem_shared>>) target_semaphore(%arg23 : memref<!tpu.dma_semaphore, #tpu.memory_space<semaphore_mem>>)
        %mul3A_220 = arith.constant 96 : i32
        %mul3A_221 = arith.muli %add3A_194, %mul3A_220 : i32
        %dma_start3A_222 = tpu.memref_slice %arg6[%mul3A_221] : memref<15744xi32, #tpu.memory_space<vmem>> -> memref<96xi32, #tpu.memory_space<vmem>>
        %dma_start3A_223 = arith.constant 0 : i32
        %dma_start3A_224 = arith.constant 0 : i32
        %dma_start3A_225 = tpu.memref_slice %arg2[%dma_start3A_223, %dma_start3A_224] : memref<100000x128xf32, #tpu.memory_space<hbm>> -> memref<100000x128xf32, #tpu.memory_space<hbm>>
        tpu.enqueue_indirect_dma source(%dma_start3A_225 : memref<100000x128xf32, #tpu.memory_space<hbm>>) target(%arg12 : memref<96x128xf32, #tpu.memory_space<vmem>>) offsets(%dma_start3A_222 : memref<96xi32, #tpu.memory_space<vmem>>) semaphore(%arg21 : memref<!tpu.dma_semaphore, #tpu.memory_space<semaphore_mem>>)
      } else {
      }
      %sub3A_199 = arith.constant 2 : i32
      %sub3A_200 = arith.subi %add3A_194, %sub3A_199 : i32
      %lt3A_201 = arith.cmpi slt, %sub3A_200, %add3A_3 : i32
      %convert_element_type3A_202 = arith.extui %lt3A_201 : i1 to i32
      %cond3A_203 = arith.constant 0 : i32
      %cond3A_204 = arith.cmpi ne, %convert_element_type3A_202, %cond3A_203 : i32
      scf.if %cond3A_204 {
        %dma_wait3A_206 = arith.constant 0 : i32
        %dma_wait3A_207 = tpu.memref_slice %arg6[%dma_wait3A_206] : memref<15744xi32, #tpu.memory_space<vmem>> -> memref<96xi32, #tpu.memory_space<vmem>>
        %dma_wait3A_208 = arith.constant 0 : i32
        %dma_wait3A_209 = arith.constant 0 : i32
        %dma_wait3A_210 = tpu.memref_slice %arg2[%dma_wait3A_208, %dma_wait3A_209] : memref<100000x128xf32, #tpu.memory_space<hbm>> -> memref<100000x128xf32, #tpu.memory_space<hbm>>
        tpu.wait_indirect_dma semaphore(%arg22 : memref<!tpu.dma_semaphore, #tpu.memory_space<semaphore_mem>>) src(%dma_wait3A_210 : memref<100000x128xf32, #tpu.memory_space<hbm>>) dst(%arg13 : memref<96x128xf32, #tpu.memory_space<vmem>>)
        %dma_wait3A_211 = arith.constant 1 : i32
        %dma_wait3A_212 = arith.constant 0 : i32
        %dma_wait3A_213 = arith.constant 0 : i32
        %dma_wait3A_214 = tpu.memref_slice %arg14[%arg1, %dma_wait3A_211, %dma_wait3A_212, %dma_wait3A_213] : memref<16x2x96x128xf32, #tpu.memory_space<vmem_shared>> -> memref<1x1x96x128xf32, #tpu.memory_space<vmem_shared>>
        %dma_wait3A_215 = tpu.memref_squeeze %dma_wait3A_214 : memref<1x1x96x128xf32, #tpu.memory_space<vmem_shared>> -> memref<96x128xf32, #tpu.memory_space<vmem_shared>>
        %dma_wait3A_216 = arith.constant 0 : i32
        %dma_wait3A_217 = arith.constant 0 : i32
        %dma_wait3A_218 = tpu.memref_slice %arg3[%dma_wait3A_216, %dma_wait3A_217] : memref<500000x128xf32, #tpu.memory_space<hbm>> -> memref<96x128xf32, #tpu.memory_space<hbm>>
        tpu.wait_dma2 semaphore(%arg24 : memref<!tpu.dma_semaphore, #tpu.memory_space<semaphore_mem>>) src(%dma_wait3A_218 : memref<96x128xf32, #tpu.memory_space<hbm>>) dst(%dma_wait3A_215 : memref<96x128xf32, #tpu.memory_space<vmem_shared>>)
        %run_scoped3A = arith.constant 1 : i32
        "tpu.region"() ({
          %run_scoped3A_228 = tpu.sem_alloc : memref<!tpu.dma_semaphore, #tpu.memory_space<semaphore_mem>>
          %dma_start3A_229 = arith.constant 0 : i32
          %dma_start3A_230 = arith.constant 0 : i32
          %dma_start3A_231 = tpu.memref_slice %arg14[%arg1, %run_scoped3A, %dma_start3A_229, %dma_start3A_230] : memref<16x2x96x128xf32, #tpu.memory_space<vmem_shared>> -> memref<1x1x96x128xf32, #tpu.memory_space<vmem_shared>>
          %dma_start3A_232 = tpu.memref_squeeze %dma_start3A_231 : memref<1x1x96x128xf32, #tpu.memory_space<vmem_shared>> -> memref<96x128xf32, #tpu.memory_space<vmem_shared>>
          %dma_start3A_233 = arith.constant 0 : i32
          %dma_start3A_234 = arith.constant 0 : i32
          %dma_start3A_235 = tpu.memref_slice %dma_start3A_232[%dma_start3A_233, %dma_start3A_234] : memref<96x128xf32, #tpu.memory_space<vmem_shared>> -> memref<96x128xf32, #tpu.memory_space<vmem_shared>>
          tpu.enqueue_indirect_dma source(%arg13 : memref<96x128xf32, #tpu.memory_space<vmem>>) target(%dma_start3A_235 : memref<96x128xf32, #tpu.memory_space<vmem_shared>>) offsets(%arg7 : memref<96xi32, #tpu.memory_space<vmem>>) semaphore(%run_scoped3A_228 : memref<!tpu.dma_semaphore, #tpu.memory_space<semaphore_mem>>) {add = true}
          %dma_wait3A_236 = arith.constant 0 : i32
          %dma_wait3A_237 = arith.constant 0 : i32
          %dma_wait3A_238 = tpu.memref_slice %arg14[%arg1, %run_scoped3A, %dma_wait3A_236, %dma_wait3A_237] : memref<16x2x96x128xf32, #tpu.memory_space<vmem_shared>> -> memref<1x1x96x128xf32, #tpu.memory_space<vmem_shared>>
          %dma_wait3A_239 = tpu.memref_squeeze %dma_wait3A_238 : memref<1x1x96x128xf32, #tpu.memory_space<vmem_shared>> -> memref<96x128xf32, #tpu.memory_space<vmem_shared>>
          %dma_wait3A_240 = arith.constant 0 : i32
          %dma_wait3A_241 = arith.constant 0 : i32
          %dma_wait3A_242 = tpu.memref_slice %dma_wait3A_239[%dma_wait3A_240, %dma_wait3A_241] : memref<96x128xf32, #tpu.memory_space<vmem_shared>> -> memref<96x128xf32, #tpu.memory_space<vmem_shared>>
          tpu.wait_indirect_dma semaphore(%run_scoped3A_228 : memref<!tpu.dma_semaphore, #tpu.memory_space<semaphore_mem>>) src(%arg13 : memref<96x128xf32, #tpu.memory_space<vmem>>) dst(%dma_wait3A_242 : memref<96x128xf32, #tpu.memory_space<vmem_shared>>)
          tpu.yield
        }) : () -> ()
        %add3A_219 = arith.addi %add3A_7, %sub3A_200 : i32
        %mul3A_220 = arith.constant 96 : i32
        %mul3A_221 = arith.muli %add3A_219, %mul3A_220 : i32
        %dma_start3A = arith.constant 1 : i32
        %dma_start3A_222 = arith.constant 0 : i32
        %dma_start3A_223 = tpu.memref_slice %arg5[%mul3A_221, %dma_start3A_222] : memref<500000x128xf32, #tpu.memory_space<hbm>> -> memref<96x128xf32, #tpu.memory_space<hbm>>
        %dma_start3A_224 = arith.constant 0 : i32
        %dma_start3A_225 = arith.constant 0 : i32
        %dma_start3A_226 = tpu.memref_slice %arg14[%arg1, %dma_start3A, %dma_start3A_224, %dma_start3A_225] : memref<16x2x96x128xf32, #tpu.memory_space<vmem_shared>> -> memref<1x1x96x128xf32, #tpu.memory_space<vmem_shared>>
        %dma_start3A_227 = tpu.memref_squeeze %dma_start3A_226 : memref<1x1x96x128xf32, #tpu.memory_space<vmem_shared>> -> memref<96x128xf32, #tpu.memory_space<vmem_shared>>
        tpu.enqueue_dma source(%dma_start3A_227 : memref<96x128xf32, #tpu.memory_space<vmem_shared>>) target(%dma_start3A_223 : memref<96x128xf32, #tpu.memory_space<hbm>>) target_semaphore(%arg26 : memref<!tpu.dma_semaphore, #tpu.memory_space<semaphore_mem>>)
      } else {
      }
      %scan3A_205 = arith.constant 0 : i32
      scf.yield %scan3A_205 : i32
    }
    %scan3A_74 = arith.constant 28 : i32
    %dma_wait3A = arith.constant 0 : i32
    %dma_wait3A_75 = arith.constant 0 : i32
    %dma_wait3A_76 = tpu.memref_slice %arg5[%dma_wait3A, %dma_wait3A_75] : memref<500000x128xf32, #tpu.memory_space<hbm>> -> memref<96x128xf32, #tpu.memory_space<hbm>>
    %dma_wait3A_77 = arith.constant 0 : i32
    %dma_wait3A_78 = arith.constant 0 : i32
    %dma_wait3A_79 = tpu.memref_slice %arg5[%dma_wait3A_77, %dma_wait3A_78] : memref<500000x128xf32, #tpu.memory_space<hbm>> -> memref<96x128xf32, #tpu.memory_space<hbm>>
    tpu.wait_dma2 semaphore(%arg19 : memref<!tpu.dma_semaphore, #tpu.memory_space<semaphore_mem>>) src(%arg8 : memref<96x128xf32, #tpu.memory_space<vmem>>) dst(%dma_wait3A_79 : memref<96x128xf32, #tpu.memory_space<hbm>>)
    %dma_wait3A_80 = arith.constant 0 : i32
    %dma_wait3A_81 = arith.constant 0 : i32
    %dma_wait3A_82 = tpu.memref_slice %arg5[%dma_wait3A_80, %dma_wait3A_81] : memref<500000x128xf32, #tpu.memory_space<hbm>> -> memref<96x128xf32, #tpu.memory_space<hbm>>
    %dma_wait3A_83 = arith.constant 0 : i32
    %dma_wait3A_84 = arith.constant 0 : i32
    %dma_wait3A_85 = tpu.memref_slice %arg5[%dma_wait3A_83, %dma_wait3A_84] : memref<500000x128xf32, #tpu.memory_space<hbm>> -> memref<96x128xf32, #tpu.memory_space<hbm>>
    tpu.wait_dma2 semaphore(%arg20 : memref<!tpu.dma_semaphore, #tpu.memory_space<semaphore_mem>>) src(%arg9 : memref<96x128xf32, #tpu.memory_space<vmem>>) dst(%dma_wait3A_85 : memref<96x128xf32, #tpu.memory_space<hbm>>)
    %dma_wait3A_86 = arith.constant 0 : i32
    %dma_wait3A_87 = arith.constant 0 : i32
    %dma_wait3A_88 = arith.constant 0 : i32
    %dma_wait3A_89 = tpu.memref_slice %arg5[%dma_wait3A_87, %dma_wait3A_88] : memref<500000x128xf32, #tpu.memory_space<hbm>> -> memref<96x128xf32, #tpu.memory_space<hbm>>
    %dma_wait3A_90 = arith.constant 0 : i32
    %dma_wait3A_91 = arith.constant 0 : i32
    %dma_wait3A_92 = tpu.memref_slice %arg14[%arg1, %dma_wait3A_86, %dma_wait3A_90, %dma_wait3A_91] : memref<16x2x96x128xf32, #tpu.memory_space<vmem_shared>> -> memref<1x1x96x128xf32, #tpu.memory_space<vmem_shared>>
    %dma_wait3A_93 = tpu.memref_squeeze %dma_wait3A_92 : memref<1x1x96x128xf32, #tpu.memory_space<vmem_shared>> -> memref<96x128xf32, #tpu.memory_space<vmem_shared>>
    tpu.wait_dma2 semaphore(%arg25 : memref<!tpu.dma_semaphore, #tpu.memory_space<semaphore_mem>>) src(%dma_wait3A_93 : memref<96x128xf32, #tpu.memory_space<vmem_shared>>) dst(%dma_wait3A_89 : memref<96x128xf32, #tpu.memory_space<hbm>>)
    %dma_wait3A_94 = arith.constant 1 : i32
    %dma_wait3A_95 = arith.constant 0 : i32
    %dma_wait3A_96 = arith.constant 0 : i32
    %dma_wait3A_97 = tpu.memref_slice %arg5[%dma_wait3A_95, %dma_wait3A_96] : memref<500000x128xf32, #tpu.memory_space<hbm>> -> memref<96x128xf32, #tpu.memory_space<hbm>>
    %dma_wait3A_98 = arith.constant 0 : i32
    %dma_wait3A_99 = arith.constant 0 : i32
    %dma_wait3A_100 = tpu.memref_slice %arg14[%arg1, %dma_wait3A_94, %dma_wait3A_98, %dma_wait3A_99] : memref<16x2x96x128xf32, #tpu.memory_space<vmem_shared>> -> memref<1x1x96x128xf32, #tpu.memory_space<vmem_shared>>
    %dma_wait3A_101 = tpu.memref_squeeze %dma_wait3A_100 : memref<1x1x96x128xf32, #tpu.memory_space<vmem_shared>> -> memref<96x128xf32, #tpu.memory_space<vmem_shared>>
    tpu.wait_dma2 semaphore(%arg26 : memref<!tpu.dma_semaphore, #tpu.memory_space<semaphore_mem>>) src(%dma_wait3A_101 : memref<96x128xf32, #tpu.memory_space<vmem_shared>>) dst(%dma_wait3A_97 : memref<96x128xf32, #tpu.memory_space<hbm>>)
    %ge3A = arith.constant 24 : i32
    %ge3A_102 = arith.cmpi sge, %add3A, %ge3A : i32
    %lt3A_103 = arith.constant 28 : i32
    %lt3A_104 = arith.cmpi slt, %add3A, %lt3A_103 : i32
    %and3A = arith.andi %ge3A_102, %lt3A_104 : i1
    %convert_element_type3A_105 = arith.extui %and3A : i1 to i32
    %cond3A_106 = arith.constant 0 : i32
    %cond3A_107 = arith.cmpi ne, %convert_element_type3A_105, %cond3A_106 : i32
    scf.if %cond3A_107 {
      %sub3A = arith.constant 24 : i32
      %sub3A_108 = arith.subi %add3A, %sub3A : i32
      %mul3A_109 = arith.constant 8 : i32
      %mul3A_110 = arith.muli %sub3A_108, %mul3A_109 : i32
      %add3A_111 = arith.constant 499968 : i32
      %add3A_112 = arith.addi %add3A_111, %mul3A_110 : i32
      "tpu.region"() ({
        %run_scoped3A = tpu.sem_alloc : memref<!tpu.dma_semaphore, #tpu.memory_space<semaphore_mem>>
        %dma_start3A_130 = arith.constant 15648 : i32
        %dma_start3A_131 = tpu.memref_slice %arg6[%dma_start3A_130] : memref<15744xi32, #tpu.memory_space<vmem>> -> memref<8xi32, #tpu.memory_space<vmem>>
        %dma_start3A_132 = tpu.memref_slice %arg4[%add3A_112] : memref<500000xi32, #tpu.memory_space<hbm>> -> memref<8xi32, #tpu.memory_space<hbm>>
        %dma_start3A_133 = arith.constant 15648 : i32
        %dma_start3A_134 = tpu.memref_slice %arg6[%dma_start3A_133] : memref<15744xi32, #tpu.memory_space<vmem>> -> memref<8xi32, #tpu.memory_space<vmem>>
        %dma_start3A_135 = tpu.memref_slice %arg4[%add3A_112] : memref<500000xi32, #tpu.memory_space<hbm>> -> memref<8xi32, #tpu.memory_space<hbm>>
        tpu.enqueue_dma source(%dma_start3A_135 : memref<8xi32, #tpu.memory_space<hbm>>) target(%dma_start3A_134 : memref<8xi32, #tpu.memory_space<vmem>>) target_semaphore(%run_scoped3A : memref<!tpu.dma_semaphore, #tpu.memory_space<semaphore_mem>>)
        %dma_wait3A_136 = arith.constant 15648 : i32
        %dma_wait3A_137 = tpu.memref_slice %arg6[%dma_wait3A_136] : memref<15744xi32, #tpu.memory_space<vmem>> -> memref<8xi32, #tpu.memory_space<vmem>>
        %dma_wait3A_138 = tpu.memref_slice %arg4[%add3A_112] : memref<500000xi32, #tpu.memory_space<hbm>> -> memref<8xi32, #tpu.memory_space<hbm>>
        %dma_wait3A_139 = arith.constant 15648 : i32
        %dma_wait3A_140 = tpu.memref_slice %arg6[%dma_wait3A_139] : memref<15744xi32, #tpu.memory_space<vmem>> -> memref<8xi32, #tpu.memory_space<vmem>>
        %dma_wait3A_141 = tpu.memref_slice %arg4[%add3A_112] : memref<500000xi32, #tpu.memory_space<hbm>> -> memref<8xi32, #tpu.memory_space<hbm>>
        tpu.wait_dma2 semaphore(%run_scoped3A : memref<!tpu.dma_semaphore, #tpu.memory_space<semaphore_mem>>) src(%dma_wait3A_141 : memref<8xi32, #tpu.memory_space<hbm>>) dst(%dma_wait3A_140 : memref<8xi32, #tpu.memory_space<vmem>>)
        tpu.yield
      }) : () -> ()
      %dma_start3A = arith.constant 0 : i32
      %dma_start3A_113 = arith.constant 0 : i32
      %dma_start3A_114 = tpu.memref_slice %arg8[%dma_start3A, %dma_start3A_113] : memref<96x128xf32, #tpu.memory_space<vmem>> -> memref<8x128xf32, #tpu.memory_space<vmem>>
      %dma_start3A_115 = arith.constant 15648 : i32
      %dma_start3A_116 = tpu.memref_slice %arg6[%dma_start3A_115] : memref<15744xi32, #tpu.memory_space<vmem>> -> memref<8xi32, #tpu.memory_space<vmem>>
      %dma_start3A_117 = arith.constant 0 : i32
      %dma_start3A_118 = arith.constant 0 : i32
      %dma_start3A_119 = tpu.memref_slice %arg2[%dma_start3A_117, %dma_start3A_118] : memref<100000x128xf32, #tpu.memory_space<hbm>> -> memref<100000x128xf32, #tpu.memory_space<hbm>>
      tpu.enqueue_indirect_dma source(%dma_start3A_119 : memref<100000x128xf32, #tpu.memory_space<hbm>>) target(%dma_start3A_114 : memref<8x128xf32, #tpu.memory_space<vmem>>) offsets(%dma_start3A_116 : memref<8xi32, #tpu.memory_space<vmem>>) semaphore(%arg15 : memref<!tpu.dma_semaphore, #tpu.memory_space<semaphore_mem>>)
      %dma_wait3A_120 = arith.constant 0 : i32
      %dma_wait3A_121 = arith.constant 0 : i32
      %dma_wait3A_122 = tpu.memref_slice %arg8[%dma_wait3A_120, %dma_wait3A_121] : memref<96x128xf32, #tpu.memory_space<vmem>> -> memref<8x128xf32, #tpu.memory_space<vmem>>
      %dma_wait3A_123 = arith.constant 15648 : i32
      %dma_wait3A_124 = tpu.memref_slice %arg6[%dma_wait3A_123] : memref<15744xi32, #tpu.memory_space<vmem>> -> memref<8xi32, #tpu.memory_space<vmem>>
      %dma_wait3A_125 = arith.constant 0 : i32
      %dma_wait3A_126 = arith.constant 0 : i32
      %dma_wait3A_127 = tpu.memref_slice %arg2[%dma_wait3A_125, %dma_wait3A_126] : memref<100000x128xf32, #tpu.memory_space<hbm>> -> memref<100000x128xf32, #tpu.memory_space<hbm>>
      tpu.wait_indirect_dma semaphore(%arg15 : memref<!tpu.dma_semaphore, #tpu.memory_space<semaphore_mem>>) src(%dma_wait3A_127 : memref<100000x128xf32, #tpu.memory_space<hbm>>) dst(%dma_wait3A_122 : memref<8x128xf32, #tpu.memory_space<vmem>>)
      "tpu.region"() ({
        %run_scoped3A = tpu.sem_alloc : memref<!tpu.dma_semaphore, #tpu.memory_space<semaphore_mem>>
        %dma_start3A_130 = arith.constant 0 : i32
        %dma_start3A_131 = arith.constant 0 : i32
        %dma_start3A_132 = tpu.memref_slice %arg10[%dma_start3A_130, %dma_start3A_131] : memref<96x128xf32, #tpu.memory_space<vmem>> -> memref<8x128xf32, #tpu.memory_space<vmem>>
        %dma_start3A_133 = arith.constant 0 : i32
        %dma_start3A_134 = tpu.memref_slice %arg3[%add3A_112, %dma_start3A_133] : memref<500000x128xf32, #tpu.memory_space<hbm>> -> memref<8x128xf32, #tpu.memory_space<hbm>>
        %dma_start3A_135 = arith.constant 0 : i32
        %dma_start3A_136 = arith.constant 0 : i32
        %dma_start3A_137 = tpu.memref_slice %arg10[%dma_start3A_135, %dma_start3A_136] : memref<96x128xf32, #tpu.memory_space<vmem>> -> memref<8x128xf32, #tpu.memory_space<vmem>>
        %dma_start3A_138 = arith.constant 0 : i32
        %dma_start3A_139 = tpu.memref_slice %arg3[%add3A_112, %dma_start3A_138] : memref<500000x128xf32, #tpu.memory_space<hbm>> -> memref<8x128xf32, #tpu.memory_space<hbm>>
        tpu.enqueue_dma source(%dma_start3A_139 : memref<8x128xf32, #tpu.memory_space<hbm>>) target(%dma_start3A_137 : memref<8x128xf32, #tpu.memory_space<vmem>>) target_semaphore(%run_scoped3A : memref<!tpu.dma_semaphore, #tpu.memory_space<semaphore_mem>>)
        %dma_wait3A_140 = arith.constant 0 : i32
        %dma_wait3A_141 = arith.constant 0 : i32
        %dma_wait3A_142 = tpu.memref_slice %arg10[%dma_wait3A_140, %dma_wait3A_141] : memref<96x128xf32, #tpu.memory_space<vmem>> -> memref<8x128xf32, #tpu.memory_space<vmem>>
        %dma_wait3A_143 = arith.constant 0 : i32
        %dma_wait3A_144 = tpu.memref_slice %arg3[%add3A_112, %dma_wait3A_143] : memref<500000x128xf32, #tpu.memory_space<hbm>> -> memref<8x128xf32, #tpu.memory_space<hbm>>
        %dma_wait3A_145 = arith.constant 0 : i32
        %dma_wait3A_146 = arith.constant 0 : i32
        %dma_wait3A_147 = tpu.memref_slice %arg10[%dma_wait3A_145, %dma_wait3A_146] : memref<96x128xf32, #tpu.memory_space<vmem>> -> memref<8x128xf32, #tpu.memory_space<vmem>>
        %dma_wait3A_148 = arith.constant 0 : i32
        %dma_wait3A_149 = tpu.memref_slice %arg3[%add3A_112, %dma_wait3A_148] : memref<500000x128xf32, #tpu.memory_space<hbm>> -> memref<8x128xf32, #tpu.memory_space<hbm>>
        tpu.wait_dma2 semaphore(%run_scoped3A : memref<!tpu.dma_semaphore, #tpu.memory_space<semaphore_mem>>) src(%dma_wait3A_149 : memref<8x128xf32, #tpu.memory_space<hbm>>) dst(%dma_wait3A_147 : memref<8x128xf32, #tpu.memory_space<vmem>>)
        tpu.yield
      }) : () -> ()
      %parallel_loop3A = arith.constant 0 : i32
      %parallel_loop3A_128 = arith.constant 8 : i32
      %parallel_loop3A_129 = arith.constant 1 : i32
      scf.for %parallel_loop3A_130 = %parallel_loop3A to %parallel_loop3A_128 step %parallel_loop3A_129  : i32 {
        %parallel_loop3A_131 = arith.index_cast %parallel_loop3A_130 : i32 to index
        %parallel_loop3A_132 = arith.constant 0 : index
        %parallel_loop3A_133 = tpu.vector_load %arg10[%parallel_loop3A_131, %parallel_loop3A_132] {strides = array<i32>} : memref<96x128xf32, #tpu.memory_space<vmem>>, vector<1x16xf32>,
        %parallel_loop3A_134 = vector.shape_cast %parallel_loop3A_133 : vector<1x16xf32> to vector<16xf32>
        %parallel_loop3A_135 = arith.index_cast %parallel_loop3A_130 : i32 to index
        %parallel_loop3A_136 = arith.constant 0 : index
        %parallel_loop3A_137 = tpu.vector_load %arg8[%parallel_loop3A_135, %parallel_loop3A_136] {strides = array<i32>} : memref<96x128xf32, #tpu.memory_space<vmem>>, vector<1x16xf32>,
        %parallel_loop3A_138 = vector.shape_cast %parallel_loop3A_137 : vector<1x16xf32> to vector<16xf32>
        %parallel_loop3A_139 = vector.shape_cast %parallel_loop3A_134 : vector<16xf32> to vector<1x16xf32>
        tpu.vector_store %arg8[%parallel_loop3A_135, %parallel_loop3A_136], %parallel_loop3A_139 {add = true, strides = array<i32>} : memref<96x128xf32, #tpu.memory_space<vmem>>, vector<1x16xf32>,
        %parallel_loop3A_140 = arith.index_cast %parallel_loop3A_130 : i32 to index
        %parallel_loop3A_141 = arith.constant 16 : index
        %parallel_loop3A_142 = tpu.vector_load %arg10[%parallel_loop3A_140, %parallel_loop3A_141] {strides = array<i32>} : memref<96x128xf32, #tpu.memory_space<vmem>>, vector<1x16xf32>,
        %parallel_loop3A_143 = vector.shape_cast %parallel_loop3A_142 : vector<1x16xf32> to vector<16xf32>
        %parallel_loop3A_144 = arith.index_cast %parallel_loop3A_130 : i32 to index
        %parallel_loop3A_145 = arith.constant 16 : index
        %parallel_loop3A_146 = tpu.vector_load %arg8[%parallel_loop3A_144, %parallel_loop3A_145] {strides = array<i32>} : memref<96x128xf32, #tpu.memory_space<vmem>>, vector<1x16xf32>,
        %parallel_loop3A_147 = vector.shape_cast %parallel_loop3A_146 : vector<1x16xf32> to vector<16xf32>
        %parallel_loop3A_148 = vector.shape_cast %parallel_loop3A_143 : vector<16xf32> to vector<1x16xf32>
        tpu.vector_store %arg8[%parallel_loop3A_144, %parallel_loop3A_145], %parallel_loop3A_148 {add = true, strides = array<i32>} : memref<96x128xf32, #tpu.memory_space<vmem>>, vector<1x16xf32>,
        %parallel_loop3A_149 = arith.index_cast %parallel_loop3A_130 : i32 to index
        %parallel_loop3A_150 = arith.constant 32 : index
        %parallel_loop3A_151 = tpu.vector_load %arg10[%parallel_loop3A_149, %parallel_loop3A_150] {strides = array<i32>} : memref<96x128xf32, #tpu.memory_space<vmem>>, vector<1x16xf32>,
        %parallel_loop3A_152 = vector.shape_cast %parallel_loop3A_151 : vector<1x16xf32> to vector<16xf32>
        %parallel_loop3A_153 = arith.index_cast %parallel_loop3A_130 : i32 to index
        %parallel_loop3A_154 = arith.constant 32 : index
        %parallel_loop3A_155 = tpu.vector_load %arg8[%parallel_loop3A_153, %parallel_loop3A_154] {strides = array<i32>} : memref<96x128xf32, #tpu.memory_space<vmem>>, vector<1x16xf32>,
        %parallel_loop3A_156 = vector.shape_cast %parallel_loop3A_155 : vector<1x16xf32> to vector<16xf32>
        %parallel_loop3A_157 = vector.shape_cast %parallel_loop3A_152 : vector<16xf32> to vector<1x16xf32>
        tpu.vector_store %arg8[%parallel_loop3A_153, %parallel_loop3A_154], %parallel_loop3A_157 {add = true, strides = array<i32>} : memref<96x128xf32, #tpu.memory_space<vmem>>, vector<1x16xf32>,
        %parallel_loop3A_158 = arith.index_cast %parallel_loop3A_130 : i32 to index
        %parallel_loop3A_159 = arith.constant 48 : index
        %parallel_loop3A_160 = tpu.vector_load %arg10[%parallel_loop3A_158, %parallel_loop3A_159] {strides = array<i32>} : memref<96x128xf32, #tpu.memory_space<vmem>>, vector<1x16xf32>,
        %parallel_loop3A_161 = vector.shape_cast %parallel_loop3A_160 : vector<1x16xf32> to vector<16xf32>
        %parallel_loop3A_162 = arith.index_cast %parallel_loop3A_130 : i32 to index
        %parallel_loop3A_163 = arith.constant 48 : index
        %parallel_loop3A_164 = tpu.vector_load %arg8[%parallel_loop3A_162, %parallel_loop3A_163] {strides = array<i32>} : memref<96x128xf32, #tpu.memory_space<vmem>>, vector<1x16xf32>,
        %parallel_loop3A_165 = vector.shape_cast %parallel_loop3A_164 : vector<1x16xf32> to vector<16xf32>
        %parallel_loop3A_166 = vector.shape_cast %parallel_loop3A_161 : vector<16xf32> to vector<1x16xf32>
        tpu.vector_store %arg8[%parallel_loop3A_162, %parallel_loop3A_163], %parallel_loop3A_166 {add = true, strides = array<i32>} : memref<96x128xf32, #tpu.memory_space<vmem>>, vector<1x16xf32>,
        %parallel_loop3A_167 = arith.index_cast %parallel_loop3A_130 : i32 to index
        %parallel_loop3A_168 = arith.constant 64 : index
        %parallel_loop3A_169 = tpu.vector_load %arg10[%parallel_loop3A_167, %parallel_loop3A_168] {strides = array<i32>} : memref<96x128xf32, #tpu.memory_space<vmem>>, vector<1x16xf32>,
        %parallel_loop3A_170 = vector.shape_cast %parallel_loop3A_169 : vector<1x16xf32> to vector<16xf32>
        %parallel_loop3A_171 = arith.index_cast %parallel_loop3A_130 : i32 to index
        %parallel_loop3A_172 = arith.constant 64 : index
        %parallel_loop3A_173 = tpu.vector_load %arg8[%parallel_loop3A_171, %parallel_loop3A_172] {strides = array<i32>} : memref<96x128xf32, #tpu.memory_space<vmem>>, vector<1x16xf32>,
        %parallel_loop3A_174 = vector.shape_cast %parallel_loop3A_173 : vector<1x16xf32> to vector<16xf32>
        %parallel_loop3A_175 = vector.shape_cast %parallel_loop3A_170 : vector<16xf32> to vector<1x16xf32>
        tpu.vector_store %arg8[%parallel_loop3A_171, %parallel_loop3A_172], %parallel_loop3A_175 {add = true, strides = array<i32>} : memref<96x128xf32, #tpu.memory_space<vmem>>, vector<1x16xf32>,
        %parallel_loop3A_176 = arith.index_cast %parallel_loop3A_130 : i32 to index
        %parallel_loop3A_177 = arith.constant 80 : index
        %parallel_loop3A_178 = tpu.vector_load %arg10[%parallel_loop3A_176, %parallel_loop3A_177] {strides = array<i32>} : memref<96x128xf32, #tpu.memory_space<vmem>>, vector<1x16xf32>,
        %parallel_loop3A_179 = vector.shape_cast %parallel_loop3A_178 : vector<1x16xf32> to vector<16xf32>
        %parallel_loop3A_180 = arith.index_cast %parallel_loop3A_130 : i32 to index
        %parallel_loop3A_181 = arith.constant 80 : index
        %parallel_loop3A_182 = tpu.vector_load %arg8[%parallel_loop3A_180, %parallel_loop3A_181] {strides = array<i32>} : memref<96x128xf32, #tpu.memory_space<vmem>>, vector<1x16xf32>,
        %parallel_loop3A_183 = vector.shape_cast %parallel_loop3A_182 : vector<1x16xf32> to vector<16xf32>
        %parallel_loop3A_184 = vector.shape_cast %parallel_loop3A_179 : vector<16xf32> to vector<1x16xf32>
        tpu.vector_store %arg8[%parallel_loop3A_180, %parallel_loop3A_181], %parallel_loop3A_184 {add = true, strides = array<i32>} : memref<96x128xf32, #tpu.memory_space<vmem>>, vector<1x16xf32>,
        %parallel_loop3A_185 = arith.index_cast %parallel_loop3A_130 : i32 to index
        %parallel_loop3A_186 = arith.constant 96 : index
        %parallel_loop3A_187 = tpu.vector_load %arg10[%parallel_loop3A_185, %parallel_loop3A_186] {strides = array<i32>} : memref<96x128xf32, #tpu.memory_space<vmem>>, vector<1x16xf32>,
        %parallel_loop3A_188 = vector.shape_cast %parallel_loop3A_187 : vector<1x16xf32> to vector<16xf32>
        %parallel_loop3A_189 = arith.index_cast %parallel_loop3A_130 : i32 to index
        %parallel_loop3A_190 = arith.constant 96 : index
        %parallel_loop3A_191 = tpu.vector_load %arg8[%parallel_loop3A_189, %parallel_loop3A_190] {strides = array<i32>} : memref<96x128xf32, #tpu.memory_space<vmem>>, vector<1x16xf32>,
        %parallel_loop3A_192 = vector.shape_cast %parallel_loop3A_191 : vector<1x16xf32> to vector<16xf32>
        %parallel_loop3A_193 = vector.shape_cast %parallel_loop3A_188 : vector<16xf32> to vector<1x16xf32>
        tpu.vector_store %arg8[%parallel_loop3A_189, %parallel_loop3A_190], %parallel_loop3A_193 {add = true, strides = array<i32>} : memref<96x128xf32, #tpu.memory_space<vmem>>, vector<1x16xf32>,
        %parallel_loop3A_194 = arith.index_cast %parallel_loop3A_130 : i32 to index
        %parallel_loop3A_195 = arith.constant 112 : index
        %parallel_loop3A_196 = tpu.vector_load %arg10[%parallel_loop3A_194, %parallel_loop3A_195] {strides = array<i32>} : memref<96x128xf32, #tpu.memory_space<vmem>>, vector<1x16xf32>,
        %parallel_loop3A_197 = vector.shape_cast %parallel_loop3A_196 : vector<1x16xf32> to vector<16xf32>
        %parallel_loop3A_198 = arith.index_cast %parallel_loop3A_130 : i32 to index
        %parallel_loop3A_199 = arith.constant 112 : index
        %parallel_loop3A_200 = tpu.vector_load %arg8[%parallel_loop3A_198, %parallel_loop3A_199] {strides = array<i32>} : memref<96x128xf32, #tpu.memory_space<vmem>>, vector<1x16xf32>,
        %parallel_loop3A_201 = vector.shape_cast %parallel_loop3A_200 : vector<1x16xf32> to vector<16xf32>
        %parallel_loop3A_202 = vector.shape_cast %parallel_loop3A_197 : vector<16xf32> to vector<1x16xf32>
        tpu.vector_store %arg8[%parallel_loop3A_198, %parallel_loop3A_199], %parallel_loop3A_202 {add = true, strides = array<i32>} : memref<96x128xf32, #tpu.memory_space<vmem>>, vector<1x16xf32>,
      } {sc.loop_unroll_factor = 4 : i64, sc.parallel_access}
      "tpu.region"() ({
        %run_scoped3A = tpu.sem_alloc : memref<!tpu.dma_semaphore, #tpu.memory_space<semaphore_mem>>
        %dma_start3A_130 = arith.constant 0 : i32
        %dma_start3A_131 = arith.constant 0 : i32
        %dma_start3A_132 = tpu.memref_slice %arg8[%dma_start3A_130, %dma_start3A_131] : memref<96x128xf32, #tpu.memory_space<vmem>> -> memref<8x128xf32, #tpu.memory_space<vmem>>
        %dma_start3A_133 = arith.constant 0 : i32
        %dma_start3A_134 = tpu.memref_slice %arg5[%add3A_112, %dma_start3A_133] : memref<500000x128xf32, #tpu.memory_space<hbm>> -> memref<8x128xf32, #tpu.memory_space<hbm>>
        %dma_start3A_135 = arith.constant 0 : i32
        %dma_start3A_136 = tpu.memref_slice %arg5[%add3A_112, %dma_start3A_135] : memref<500000x128xf32, #tpu.memory_space<hbm>> -> memref<8x128xf32, #tpu.memory_space<hbm>>
        %dma_start3A_137 = arith.constant 0 : i32
        %dma_start3A_138 = arith.constant 0 : i32
        %dma_start3A_139 = tpu.memref_slice %arg8[%dma_start3A_137, %dma_start3A_138] : memref<96x128xf32, #tpu.memory_space<vmem>> -> memref<8x128xf32, #tpu.memory_space<vmem>>
        tpu.enqueue_dma source(%dma_start3A_139 : memref<8x128xf32, #tpu.memory_space<vmem>>) target(%dma_start3A_136 : memref<8x128xf32, #tpu.memory_space<hbm>>) target_semaphore(%run_scoped3A : memref<!tpu.dma_semaphore, #tpu.memory_space<semaphore_mem>>)
        %dma_wait3A_140 = arith.constant 0 : i32
        %dma_wait3A_141 = arith.constant 0 : i32
        %dma_wait3A_142 = tpu.memref_slice %arg8[%dma_wait3A_140, %dma_wait3A_141] : memref<96x128xf32, #tpu.memory_space<vmem>> -> memref<8x128xf32, #tpu.memory_space<vmem>>
        %dma_wait3A_143 = arith.constant 0 : i32
        %dma_wait3A_144 = tpu.memref_slice %arg5[%add3A_112, %dma_wait3A_143] : memref<500000x128xf32, #tpu.memory_space<hbm>> -> memref<8x128xf32, #tpu.memory_space<hbm>>
        %dma_wait3A_145 = arith.constant 0 : i32
        %dma_wait3A_146 = tpu.memref_slice %arg5[%add3A_112, %dma_wait3A_145] : memref<500000x128xf32, #tpu.memory_space<hbm>> -> memref<8x128xf32, #tpu.memory_space<hbm>>
        %dma_wait3A_147 = arith.constant 0 : i32
        %dma_wait3A_148 = arith.constant 0 : i32
        %dma_wait3A_149 = tpu.memref_slice %arg8[%dma_wait3A_147, %dma_wait3A_148] : memref<96x128xf32, #tpu.memory_space<vmem>> -> memref<8x128xf32, #tpu.memory_space<vmem>>
        tpu.wait_dma2 semaphore(%run_scoped3A : memref<!tpu.dma_semaphore, #tpu.memory_space<semaphore_mem>>) src(%dma_wait3A_149 : memref<8x128xf32, #tpu.memory_space<vmem>>) dst(%dma_wait3A_146 : memref<8x128xf32, #tpu.memory_space<hbm>>)
        tpu.yield
      }) : () -> ()
    } else {
    }
    return
  }
}

</mosaic_0001>

<sc_bundles>
// kernel: _run.3.cloned.1.call-start
scs
__scs_entry_jumppad:
0x0: {  	(pc) =	sbr.rel $0x88, $3  }
0x1: {  	(tag) =	ssettag $0x0;
	lr =	simm.s32 $0x1  }
0x2: {  	[smem:$0x3F9E] =	sst lr;
	_ =	strace $0xD0000000  }
0x3: {  	_ = 	snop  }
0x4: {  	_ = 	snop  }
0x5: {  	_ = 	snop  }
0x6: {  	_ = 	snop  }
0x7: {  	_ = 	snop  }
__scs_overlays_trampoline_lowered:
0x8: {  	[smem:$0x3FAD] =	sst s0  }
0x9: {  	[smem:$0x3FAE] =	sst s1  }
0xa: {  	[smem:$0x3FAF] =	sst s2  }
0xb: {  	[smem:$0x3FB0] =	sst s3  }
0xc: {  	[smem:$0x3FB1] =	sst s4  }
0xd: {  	[smem:$0x3FB2] =	sst s5  }
0xe: {  	[smem:$0x3FB3] =	sst s6  }
0xf: {  	[smem:$0x3FB4] =	sst s7  }
0x10: {  	[smem:$0x3FB5] =	sst s8  }
0x11: {  	[smem:$0x3FB6] =	sst s9;
	s0 =	simm.s32 @!p0 $0x0  }
0x12: {  	s1 =	sld [smem:$0x3F9C];
	s0 =	simm.s32 @p0 $0x1  }
0x13: {  	[smem:$0x3FB7] =	sst s0;
	s0 =	simm.s32 @!p1 $0x0  }
0x14: {  	s2 =	sld [smem:$0x3F9B];
	s0 =	simm.s32 @p1 $0x1  }
0x15: {  	[smem:$0x3FB8] =	sst s0;
	s0 =	simm.s32 @!p2 $0x0  }
0x16: {  	s3 =	sld [smem:$0x3FDB];
	s0 =	simm.s32 @p2 $0x1  }
0x17: {  	s4 =	simm.s32 $0x1BF5;
	[smem:$0x3FBA] =	sst s0  }
0x18: {  	s0 =	sld [smem:$0x3F9D];
	_ =	swait.ge [sflag:s4], $0x0  }
0x19: {  	s7 =	sld [smem:$0x3F9E]  }
0x1a: {  	s8 =	sadd.s32 $0xFFFFE003, lr  }
0x1b: {  	s9 =	sadd.s32 $0xFFFFFEF7, lr;
	s5 =	simm.s32 $0xFFFFFFFF;
	p2 =	slt.u32 s8, $0xFFFFF086  }
0x1c: {  	p1 =	slt.u32 s9, $0xF7A;
	s5 =	simm.s32 @!p2 $0x0  }
0x1d: {  	s5 =	simm.s32 @p1 $0x1;
	p0 =	seq.s32 s7, s2  }
0x1e: {  	s7 =	smul.u32 @!p0 $0xF7A, s2;
	p2 =	seq.s32 @!p0 s5, $0x0  }
0x1f: {  	s9 =	smul.u32 $0xF7A, s1;
	s8 =	simm.s32 @!p0 $0x1BF5;
	p2 =	por !p2, p0  }
0x20: {  	[sflag:s8] =	ssyncset.s32 @!p0 $0xFFFFF086;
	s6 =	sadd.s32 @!p0 s3, s7;
	s7 =	simm.s32 @!p0 $0x108  }
0x21: {  	s3 =	sadd.s32 s3, s9;
	s6 =	sadd.s32 @!p0 $0x88, s6;
	s7 =	simm.s32 @p2 $0x1082  }
0x22: {  	[simem:s7], [sflag:s8] =	dma.local @!p0 [hbm:s6], $0xF7A  }
0x23: {  	s9 =	sor.u32 $0xD0000000, s2;
	s6 =	simm.s32 $0x108;
	_ =	swait.ge @!p0 [sflag:s8], $0x0  }
0x24: {  	s3 =	sadd.s32 $0x88, s3;
	s6 =	simm.s32 @!p1 $0x1082;
	[sflag:s4] =	ssyncset.s32 $0xFFFFF086  }
0x25: {  	[simem:s6], [sflag:s4] =	dma.local [hbm:s3], $0xF7A  }
0x26: {  	[smem:$0x3F9E] =	sst s1;
	(tag) =	ssettag s2;
	_ =	strace s9  }
0x27: {  	s1 =	sld [smem:$0x3FAE]  }
0x28: {  	s2 =	sld [smem:$0x3FAF]  }
0x29: {  	s4 =	sld [smem:$0x3FB1]  }
0x2a: {  	p0 =	seq.s32 s5, $0x0;
	s5 =	sld [smem:$0x3FB2]  }
0x2b: {  	s6 =	sld [smem:$0x3FB3]  }
0x2c: {  	s7 =	sld [smem:$0x3FB4]  }
0x2d: {  	s3 =	simm.s32 $0x108;
	s8 =	sld [smem:$0x3FB5]  }
0x2e: {  	s3 =	simm.s32 @!p0 $0x1082;
	s9 =	sld [smem:$0x3FB6]  }
0x2f: {  	lr =	sadd.s32 s0, s3;
	s0 =	sld [smem:$0x3FAD]  }
0x30: {  	s3 =	sld [smem:$0x3FB0]  }
0x31: {  	[smem:$0x3FB9] =	sst s10  }
0x32: {  	s10 =	sld [smem:$0x3FB7];
	_ =	sdelay $0x3  }
0x33: {  	p0 =	seq.s32 s10, $0x1;
	s10 =	sld [smem:$0x3FB9];
	_ =	sdelay $0x3  }
0x34: {  	[smem:$0x3FB9] =	sst s10  }
0x35: {  	s10 =	sld [smem:$0x3FB8];
	_ =	sdelay $0x3  }
0x36: {  	p1 =	seq.s32 s10, $0x1;
	s10 =	sld [smem:$0x3FB9];
	_ =	sdelay $0x3  }
0x37: {  	[smem:$0x3FB9] =	sst s10  }
0x38: {  	s10 =	sld [smem:$0x3FBA]  }
0x39: {  	_ = 	snop;
	(pc) =	sbr.ind lr, $3  }
0x3a: {  	_ = 	snop  }
0x3b: {  	_ = 	snop  }
0x3c: {  	p2 =	seq.s32 s10, $0x1;
	s10 =	sld [smem:$0x3FB9]  }
0x3d: {  	_ =	shalt  }
0x3e: {  	_ =	shalt  }
0x3f: {  	_ =	shalt  }
0x40: {  	_ =	shalt  }
0x41: {  	_ =	shalt  }
0x42: {  	_ =	shalt  }
0x43: {  	_ =	shalt  }
0x44: {  	_ =	shalt  }
0x45: {  	_ =	shalt  }
0x46: {  	_ =	shalt  }
0x47: {  	_ =	shalt  }
0x48: {  	_ =	shalt  }
0x49: {  	_ =	shalt  }
0x4a: {  	_ =	shalt  }
0x4b: {  	_ =	shalt  }
0x4c: {  	_ =	shalt  }
0x4d: {  	_ =	shalt  }
0x4e: {  	_ =	shalt  }
0x4f: {  	_ =	shalt  }
0x50: {  	_ =	shalt  }
0x51: {  	_ =	shalt  }
0x52: {  	_ =	shalt  }
0x53: {  	_ =	shalt  }
0x54: {  	_ =	shalt  }
0x55: {  	_ =	shalt  }
0x56: {  	_ =	shalt  }
0x57: {  	_ =	shalt  }
0x58: {  	_ =	shalt  }
0x59: {  	_ =	shalt  }
0x5a: {  	_ =	shalt  }
0x5b: {  	_ =	shalt  }
0x5c: {  	_ =	shalt  }
0x5d: {  	_ =	shalt  }
0x5e: {  	_ =	shalt  }
0x5f: {  	_ =	shalt  }
0x60: {  	_ =	shalt  }
0x61: {  	_ =	shalt  }
0x62: {  	_ =	shalt  }
0x63: {  	_ =	shalt  }
0x64: {  	_ =	shalt  }
0x65: {  	_ =	shalt  }
0x66: {  	_ =	shalt  }
0x67: {  	_ =	shalt  }
0x68: {  	_ =	shalt  }
0x69: {  	_ =	shalt  }
0x6a: {  	_ =	shalt  }
0x6b: {  	_ =	shalt  }
0x6c: {  	_ =	shalt  }
0x6d: {  	_ =	shalt  }
0x6e: {  	_ =	shalt  }
0x6f: {  	_ =	shalt  }
0x70: {  	_ =	shalt  }
0x71: {  	_ =	shalt  }
0x72: {  	_ =	shalt  }
0x73: {  	_ =	shalt  }
0x74: {  	_ =	shalt  }
0x75: {  	_ =	shalt  }
0x76: {  	_ =	shalt  }
0x77: {  	_ =	shalt  }
0x78: {  	_ =	shalt  }
0x79: {  	_ =	shalt  }
0x7a: {  	_ =	shalt  }
0x7b: {  	_ =	shalt  }
0x7c: {  	_ =	shalt  }
0x7d: {  	_ =	shalt  }
0x7e: {  	_ =	shalt  }
0x7f: {  	_ =	shalt  }
0x80: {  	_ =	shalt  }
0x81: {  	_ =	shalt  }
0x82: {  	_ =	shalt  }
0x83: {  	_ =	shalt  }
0x84: {  	_ =	shalt  }
0x85: {  	_ =	shalt  }
0x86: {  	_ =	shalt  }
0x87: {  	_ =	shalt  }
.Lfunc_end0:
.L_simem_size_0:
called_computation_lowered:
.L_overlay_start_0:
0x88: {  	s2 =	sld [smem:$0x3FD9]  }
0x89: {  	s3 =	sld [smem:$0x3FFE];
	_ =	sdelay $0x1  }
0x8a: {  	s1 =	srdreg.scid  }
0x8b: {  	s0 =	sand.u32 $0x1, s1  }
0x8c: {  	s18 =	sshll.u32 s0, $0xA;
	s2 =	sadd.s32 s3, s2  }
0x8d: {  	s2 =	sadd.s32 s2, s18  }
0x8e: {  	[smem:$0x3FC5] =	sst s2  }
0x8f: {  	_ = 	snop  }
0x90: {  	s2 =	sld [smem:$0x3FC9]  }
0x91: {  	s19 =	sld [smem:$0x3FC8]  }
0x92: {  	s4 =	sld [smem:$0x3FC7]  }
0x93: {  	s5 =	sld [smem:$0x3FD0];
	(tm) =	ssettm $0x1  }
0x94: {  	s6 =	sld [smem:$0x3FFB];
	_ =	sdelay $0x3  }
0x95: {  	_ =	strace s6  }
0x96: {  	s6 =	sld [smem:$0x3FFC];
	_ =	sdelay $0x3  }
0x97: {  	_ =	strace s6  }
0x98: {  	s6 =	sld [smem:$0x3FFD];
	_ =	sdelay $0x3  }
0x99: {  	_ =	strace s6  }
0x9a: {  	_ =	strace $0x8FFFFFFF  }
0x9b: {  	s20 =	sld [smem:$0x3FDB];
	_ =	sdelay $0x1  }
0x9c: {  	s7 =	simm.s32 $_scs_section_size  }
0x9d: {  	s8 =	simm.s32 $_size__tile_overlayer_lowered;
	s9 =	simm.s32 $_tile_overlayer_lowered  }
0x9e: {  	s23 =	simm.s32 $0x1BFF;
	s22 =	sshll.u32 s9, $0x1;
	s6 =	sadd.s32 s7, s20  }
0x9f: {  	s10 =	simm.s32 $0x0;
	s21 =	sshll.u32 s8, $0x1;
	s8 =	sadd.s32 s22, s6  }
0xa0: {  	[timem:s10], [sflag:s23] =	dma.local [hbm:s8], s21  }
0xa1: {  	_ =	swait.ge [sflag:s23], s21  }
0xa2: {  	s7 =	ssub.s32 $0x0, s21;
	[sflag:s23] =	ssyncset.done $0x0  }
0xa3: {  	[sflag:s23] =	ssyncadd.s32 s7;
	_ =	sdelay $0x1  }
0xa4: {  	s24 =	simm.s32 $0x1B8B  }
0xa5: {  	_ =	swait.ge [sflag:s24], $0x1  }
0xa6: {  	[sflag:s24] =	ssyncset.done $0x0  }
0xa7: {  	s25 =	simm.s32 $0x1B8E;
	[sflag:s24] =	ssyncadd.s32 $0xFFFFFFFF  }
0xa8: {  	s26 =	simm.s32 $execute0_lowered;
	[smem:$0x3FD2] =	sst s25  }
0xa9: {  	s7 =	sshll.u32 s26, $0x1;
	_ =	strace $0x80000046;
	[dreg:$0x1] =	wrdreg $0xFFFFFFFF  }
0xaa: {  	s28 =	simm.s32 $_size_execute0_lowered;
	s6 =	sadd.s32 s6, s7;
	[dreg:$0x0] =	wrdreg $0x0  }
0xab: {  	s7 =	sshll.u32 s28, $0x1;
	[dreg:$0x2] =	wrdreg s6  }
0xac: {  	[dreg:$0x3] =	wrdreg s7  }
0xad: {  	[dreg:$0x4] =	wrdreg $0xC0  }
0xae: {  	_ =	task [dreg:s10], $0x5FFFF  }
0xaf: {  	[dreg:$0x1] =	wrdreg $0xFFFFFFFF  }
0xb0: {  	[dreg:$0x0] =	wrdreg $0x60  }
0xb1: {  	[dreg:$0x2] =	wrdreg s2  }
0xb2: {  	[dreg:$0x3] =	wrdreg s19  }
0xb3: {  	[dreg:$0x4] =	wrdreg s4  }
0xb4: {  	[dreg:$0x5] =	wrdreg s5  }
0xb5: {  	[dreg:$0x6] =	wrdreg $0x15E000  }
0xb6: {  	[dreg:$0x7] =	wrdreg $0x9  }
0xb7: {  	_ =	task.clear_ibuf [dreg:s10], $0x8FFFF;
	_ =	strace $0x90000046  }
0xb8: {  	s29 =	simm.s32 $0x9;
	_ =	strace $0x80000048  }
0xb9: {  	_ =	swait.ge [sflag:s29], $0x1  }
0xba: {  	[sflag:s29] =	ssyncadd.s32 $0xFFFFFFFF  }
0xbb: {  	_ =	strace $0x90000048  }
0xbc: {  	_ =	sfence  }
0xbd: {  	s30 =	sld [smem:$0x0];
	_ =	sdelay $0x2  }
0xbe: {  	s31 =	sshll.u32 s1, $0xD;
	s1 =	sshrl.u32 s1, $0x2  }
0xbf: {  	s3 =	sand.u32 $0x4000, s31;
	s1 =	sadd.s32 s1, s30  }
0xc0: {  	s0 =	sor.u32 s3, s0;
	s1 =	sshll.u32 s1, $0x11  }
0xc1: {  	s0 =	sor.u32 s1, s0  }
0xc2: {  	s0 =	sadd.s32 $0x8F2B, s0  }
0xc3: {  	[sflag:s0] =	ssyncadd.remote.s32 $0x1  }
0xc4: {  	_ =	sfence.sel $0xFFFF  }
0xc5: {  	[dreg:$0x0] =	wrdreg $0xFFFFFFFF;
	(pc) =	sbr.abs _section_cstart, $3  }
0xc6: {  	[dreg:$0x1] =	wrdreg $0xFFFFFFFF  }
0xc7: {  	_ =	task.clear_ibuf [dreg:s10], $0x2FFFF;
	_ =	strace $0x9FFFFFFF  }
0xc8: {  	(tm) =	ssettm $0x7FFFFFFF  }
0xc9: {  	_ =	shalt  }
tec
execute0_lowered:
.L_overlay_start_1:
0x0: {  	(tag) =	ssettag $0x1  }
0x1: {  	s1 =	rddreg [dreg:$0x0]  }
0x2: {  	s2 =	rddreg [dreg:$0x1]  }
0x3: {  	s8 =	rddreg [dreg:$0x2]  }
0x4: {  	s3 =	srdreg.scid;
	s4 =	rddreg [dreg:$0x3]  }
0x5: {  	s0 =	stileid.u32;
	s10 =	rddreg [dreg:$0x4]  }
0x6: {  	s28 =	simm.s32 $0x2;
	s29 =	simm.s32 $0x4;
	s30 =	simm.s32 $0x6E00  }
0x7: {  	s3 =	sand.u32 $0x1, s3;
	s5 =	sshll.u32 s0, $0x1;
	p0 =	slt.u32 s0, $0xC  }
0x8: {  	s17 =	smul.u32 $0x18000, s0;
	s23 =	sand.u32 $0xE, s0;
	s26 =	sshll.u32 s0, $0x6  }
0x9: {  	s9 =	sor.u32 s3, s5;
	s5 =	simm.s32 $0x0;
	s3 =	ssub.s32 $0x2, s3  }
0xa: {  	p1 =	sne.s32 s23, $0xC;
	s6 =	smul.u32 $0xA2, s9;
	s7 =	smin.u32 s9, $0x18  }
0xb: {  	[smem:$0x7FF] =	sst s5;
	s15 =	sshrl.u32 s3, $0x1;
	s9 =	sshll.u32 s9, $0x3  }
0xc: {  	_ =	strace $0x80000047;
	s3 =	ssub.s32 s3, s15;
	s6 =	sadd.s32 s7, s6  }
0xd: {  	s9 =	sadd.s32 $0x7A040, s9;
	s7 =	simm.s32 $0xA3;
	s11 =	smul.u32 $0xC, s6  }
0xe: {  	s22 =	sshrl.u32 s9, $0x3;
	s9 =	sshll.u32 s9, $0x4;
	s12 =	smul.u32 $0x60, s6  }
0xf: {  	s3 =	smax.u32 s3, $0x1;
	s13 =	smul.u32 $0x600, s6;
	s7 =	simm.s32 @!p0 $0xA2  }
0x10: {  	s14 =	smul.u32 $0x3000, s6;
	s24 =	sadd.s32 s2, s9;
	[dreg:$0xd] =	wrdreg s3  }
0x11: {  	s25 =	sadd.s32 s4, s9;
	p0 =	sgt.u32 s0, $0xB;
	[dreg:$0xb] =	wrdreg s24  }
0x12: {  	[dreg:$0xc] =	wrdreg s25;
	s25 =	simm.s32 $0x1;
	s11 =	sadd.s32 s8, s11  }
0x13: {  	s12 =	sshrl.u32 s12, $0x3;
	s18 =	sadd.s32 s2, s13;
	[dreg:$0x6] =	wrdreg s11  }
0x14: {  	s19 =	sshrl.u32 s14, $0x3;
	s16 =	sadd.s32 s8, s12;
	[dreg:$0x8] =	wrdreg s18  }
0x15: {  	s12 =	sshrl.u32 s17, $0x2;
	s20 =	sadd.s32 s2, s19;
	s8 =	sadd.s32 s8, s22  }
.Ltmp0:
0x16: {  	s18 =	simm.s32 $0xD;
	s22 =	sor.u32 $0x1C09, s26;
	(pc) =	sbr.rel .LBB2_1-.Ltmp0, $4  }
0x17: {  	s26 =	simm.s32 $0x3;
	s11 =	sadd.s32 $0x798, s16;
	[dreg:$0xa] =	wrdreg s8  }
0x18: {  	v0 =	vlaneseq.u32;
	s21 =	sadd.s32 $0x600, s20;
	[dreg:$0x7] =	wrdreg s11;
	s11 =	sadd.s32 s12, s10  }
0x19: {  	v1 =	vor.u32 $0x10, v0;
	v2 =	vor.u32 $0x20, v0;
	s20 =	simm.s32 $0x3E00;
	[dreg:$0x9] =	wrdreg s21;
	s31 =	sshrl.u32 s11, $0x3  }
0x1a: {  	v3 =	vor.u32 $0x30, v0;
	v4 =	vor.u32 $0x40, v0;
	v5 =	vor.u32 $0x50, v0;
	s16 =	simm.s32 $0x0;
	s13 =	sadd.s32 $0x3000, s11;
	[dreg:$0xe] =	wrdreg s31  }
.LBB2_15:
0x1b: {  	s16 =	sadd.s32 $0x1, s16;
	s3 =	rddreg [dreg:$0xd]  }
0x1c: {  	p2 =	sne.s32 s16, s3  }
.Ltmp1:
0x1d: {  	_ = 	snop;
	(pc) =	sbr.rel @!p2 .LBB2_16-.Ltmp1, $1  }
0x1e: {  	_ =	sdelay $0x3  }
.LBB2_1:
0x1f: {  	[tilespmem:$0x3D80] =	vst v0  }
0x20: {  	[tilespmem:$0x3D90] =	vst v1  }
0x21: {  	[tilespmem:$0x3DA0] =	vst v2  }
0x22: {  	[tilespmem:$0x3DB0] =	vst v3  }
0x23: {  	[tilespmem:$0x3DC0] =	vst v4  }
0x24: {  	[tilespmem:$0x3DD0] =	vst v5;
	s3 =	rddreg [dreg:$0x6]  }
0x25: {  	[tilespmem:s5], [sflag:$0xD] =	stream.linear.gather [hbm4b:s3+s5], $0x3CC0, $0x38;
	[tilespmem:$0x1BE00] =	vst v63  }
0x26: {  	_ =	swait.ge [sflag:s18], $0x3CC0  }
0x27: {  	s8 =	simm.s32 @!p0 $0x3CC0;
	[sflag:s18] =	ssyncset.done $0x0  }
0x28: {  	s3 =	simm.s32 @!p0 $0x0;
	s9 =	rddreg [dreg:$0x7];
	[sflag:s18] =	ssyncadd.s32 $0xFFFFC340  }
0x29: {  	[tilespmem:s8], [sflag:$0xD] =	stream.linear.gather @!p0 [hbm4b:s9+s3], $0x60, $0x38;
	[tilespmem:$0x1BE00] =	vst v63  }
0x2a: {  	s3 =	simm.s32 @!p0 $0xD  }
0x2b: {  	_ =	swait.ge @!p0 [sflag:s3], $0x60  }
0x2c: {  	[sflag:s3] =	ssyncset.done @!p0 $0x0  }
0x2d: {  	s17 =	simm.s32 $0x60;
	s19 =	rddreg [dreg:$0x8];
	[sflag:s3] =	ssyncadd.s32 @!p0 $0xFFFFFFA0  }
0x2e: {  	[tilespmem:s20], [sflag:$0x1] =	stream.indirect.gather [hbm4b:s1+s17], $0x80, s5, s17, $0xb8;
	[tilespmem:$0x1BE00] =	vst v63  }
.Ltmp2:
0x2f: {  	s21 =	simm.s32 $0x9E00;
	s23 =	rddreg [dreg:$0x9];
	(pc) =	sbr.rel .LBB2_2-.Ltmp2, $4  }
0x30: {  	s31 =	simm.s32 $0xFE00;
	s15 =	simm.s32 $0x0;
	s24 =	rddreg [dreg:$0xe]  }
0x31: {  	[tilespmem:s21], [sflag:$0x3] =	stream.linear.gather [hbm4b:s19+s5], $0x3000, $0x38;
	[tilespmem:$0x1BE00] =	vst v63  }
0x32: {  	[spmem:s24], [sflag:s22] =	dma.local [hbm:s23], $0x600  }
0x33: {  	[tilespmem:s31], [sflag:$0x7] =	stream.indirect.gather [hbm4b:s1+s17], $0x80, s17, s17, $0xb8;
	[tilespmem:$0x1BE00] =	vst v63  }
.LBB2_10:
0x34: {  	s3 =	sadd.s32 $0x7, s21  }
0x35: {  	p2 =	sge.u32 s3, s7  }
0x36: {  	s8 =	simm.s32 @!p2 $0xB;
	s14 =	sadd.s32 @!p2 s6, s3  }
0x37: {  	_ =	swait.ge @!p2 [sflag:s8], $0x600;
	s14 =	smul.u32 @!p2 $0x600, s14  }
0x38: {  	s3 =	smul.u32 @!p2 $0x180, s3;
	[sflag:s8] =	ssyncset.done @!p2 $0x0  }
0x39: {  	[sflag:s8] =	ssyncadd.s32 @!p2 $0xFFFFFA00;
	s8 =	sadd.s32 @!p2 s2, s14;
	s14 =	sshrl.u32 @!p2 s11, $0x3  }
0x3a: {  	[spmem:s14], [sflag:s22] =	dma.local @!p2 [hbm:s8], $0x600  }
0x3b: {  	s3 =	sshra.s32 @!p2 s3, $0x2;
	s8 =	simm.s32 @!p2 $0x60;
	s14 =	simm.s32 @!p2 $0xFE00  }
0x3c: {  	[tilespmem:s14], [sflag:$0x7] =	stream.indirect.gather @!p2 [hbm4b:s1+s8], $0x80, s3, s8, $0xb8;
	[tilespmem:$0x1BE00] =	vst v63  }
0x3d: {  	s3 =	simm.s32 @!p3 $0x8  }
0x3e: {  	_ =	swait.ge @!p3 [sflag:s3], $0x3000  }
0x3f: {  	[sflag:s3] =	ssyncset.done @!p3 $0x0  }
0x40: {  	[sflag:s3] =	ssyncadd.s32 @!p3 $0xFFFFD000;
	s3 =	simm.s32 @!p3 $0xA  }
0x41: {  	_ =	swait.ge @!p3 [sflag:s3], $0x600  }
0x42: {  	s15 =	sadd.s32 $0x1, s15;
	[sflag:s3] =	ssyncset.done @!p3 $0x0  }
0x43: {  	p2 =	sne.s32 s15, $0x1C;
	[sflag:s3] =	ssyncadd.s32 @!p3 $0xFFFFFA00;
	s3 =	simm.s32 @!p3 $0x3D80  }
0x44: {  	[spmem:s13] =	stream.indirect.scatter.add.f32 @!p3 [tilespmem:s17], [sflag:$0xD], $0x80, s3, s12, $0xb8;
	[tilespmem:$0x1BE00] =	vst v63  }
.Ltmp3:
0x45: {  	s3 =	simm.s32 @!p3 $0xD;
	(pc) =	sbr.rel @!p2 .LBB2_11-.Ltmp3, $4  }
0x46: {  	_ =	swait.ge @!p3 [sflag:s3], $0x3000  }
0x47: {  	[sflag:s3] =	ssyncset.done @!p3 $0x0  }
0x48: {  	s8 =	sor.u32 @!p3 $0x1C0C, s10;
	[sflag:s3] =	ssyncadd.s32 @!p3 $0xFFFFD000;
	s3 =	sadd.s32 @!p3 s4, s9  }
0x49: {  	[hbm:s3], [sflag:s8] =	dma.local @!p3 [spmem:s19], $0x600  }
.LBB2_2:
0x4a: {  	s21 =	smul.u32 $0x6, s15;
	_ =	sdelay $0x1  }
0x4b: {  	s3 =	sadd.s32 $0x2, s21  }
0x4c: {  	p3 =	sge.u32 s3, s7  }
0x4d: {  	p2 =	seq.s32 @!p3 s15, $0x0  }
0x4e: {  	p2 =	por p2, p3  }
0x4f: {  	s9 =	sadd.s32 @!p3 s6, s3;
	s8 =	simm.s32 @!p2 $0xC  }
0x50: {  	s10 =	sshll.u32 @!p3 s0, $0x6;
	s9 =	smul.u32 @!p3 $0x600, s9;
	_ =	swait.ge @!p2 [sflag:s8], $0x600  }
0x51: {  	s19 =	sshrl.u32 @!p3 s13, $0x3;
	s3 =	smul.u32 @!p3 $0x180, s3;
	[sflag:s8] =	ssyncset.done @!p2 $0x0  }
0x52: {  	s12 =	sor.u32 @!p3 $0x1C0A, s10;
	[sflag:s8] =	ssyncadd.s32 @!p2 $0xFFFFFA00;
	s8 =	sadd.s32 @!p3 s2, s9  }
0x53: {  	[spmem:s19], [sflag:s12] =	dma.local @!p3 [hbm:s8], $0x600  }
0x54: {  	s17 =	simm.s32 @!p3 $0x12E00;
	s3 =	sshra.s32 @!p3 s3, $0x2;
	s12 =	simm.s32 @!p3 $0x60  }
0x55: {  	[tilespmem:s17], [sflag:$0x8] =	stream.indirect.gather @!p3 [hbm4b:s1+s12], $0x80, s3, s12, $0xb8;
	[tilespmem:$0x1BE00] =	vst v63  }
0x56: {  	s3 =	sor.u32 $0x1, s21  }
0x57: {  	p2 =	sge.u32 s3, s7  }
0x58: {  	s8 =	simm.s32 @!p2 $0x7  }
0x59: {  	_ =	swait.ge @!p2 [sflag:s8], $0x3000  }
0x5a: {  	[sflag:s8] =	ssyncset.done @!p2 $0x0  }
0x5b: {  	[sflag:s8] =	ssyncadd.s32 @!p2 $0xFFFFD000;
	s8 =	simm.s32 @!p2 $0x9  }
0x5c: {  	_ =	swait.ge @!p2 [sflag:s8], $0x600  }
0x5d: {  	s23 =	simm.s32 @!p2 $0x3D80;
	[sflag:s8] =	ssyncset.done @!p2 $0x0  }
0x5e: {  	s31 =	simm.s32 @!p2 $0xFE00;
	[sflag:s8] =	ssyncadd.s32 @!p2 $0xFFFFFA00;
	s8 =	simm.s32 @!p2 $0x60  }
0x5f: {  	[spmem:s11] =	stream.indirect.scatter.add.f32 @!p2 [tilespmem:s31], [sflag:$0xD], $0x80, s23, s8, $0xb8;
	[tilespmem:$0x1BE00] =	vst v63  }
0x60: {  	s8 =	simm.s32 @!p2 $0xD  }
0x61: {  	s3 =	sadd.s32 @!p2 s6, s3;
	_ =	swait.ge @!p2 [sflag:s8], $0x3000  }
0x62: {  	s3 =	smul.u32 @!p2 $0x600, s3;
	[sflag:s8] =	ssyncset.done @!p2 $0x0  }
0x63: {  	[sflag:s8] =	ssyncadd.s32 @!p2 $0xFFFFD000;
	s8 =	sshll.u32 @!p2 s0, $0x6  }
0x64: {  	s3 =	sadd.s32 @!p2 s4, s3;
	s23 =	sshrl.u32 @!p2 s11, $0x3;
	s8 =	sor.u32 @!p2 $0x1C0B, s8  }
0x65: {  	[hbm:s3], [sflag:s8] =	dma.local @!p2 [spmem:s23], $0x600  }
0x66: {  	s8 =	sadd.s32 $0x3, s21  }
0x67: {  	p2 =	sge.u32 s8, s7  }
0x68: {  	p4 =	seq.s32 @!p2 s15, $0x0  }
0x69: {  	p4 =	por p4, p2  }
0x6a: {  	s3 =	simm.s32 @!p4 $0x6  }
0x6b: {  	_ =	swait.ge @!p4 [sflag:s3], $0x3000  }
0x6c: {  	s23 =	smul.u32 @!p2 $0x180, s8;
	[sflag:s3] =	ssyncset.done @!p4 $0x0  }
0x6d: {  	[sflag:s3] =	ssyncadd.s32 @!p4 $0xFFFFD000;
	p4 =	sge.u32 s21, s7  }
.Ltmp4:
0x6e: {  	s3 =	sshra.s32 @!p2 s23, $0x2;
	s23 =	sadd.s32 @!p2 s6, s8;
	(pc) =	sbr.rel @p4 .LBB2_6-.Ltmp4, $4  }
0x6f: {  	s31 =	simm.s32 @!p2 $0x60;
	s24 =	simm.s32 @!p2 $0x6E00;
	s23 =	smul.u32 @!p2 $0x600, s23  }
0x70: {  	[tilespmem:s24], [sflag:$0x2] =	stream.indirect.gather @!p2 [hbm4b:s1+s31], $0x80, s3, s31, $0xb8;
	[tilespmem:$0x1BE00] =	vst v63  }
0x71: {  	s24 =	simm.s32 @!p2 $0xCE00;
	s3 =	sadd.s32 @!p2 s2, s23;
	s23 =	simm.s32 @!p2 $0x0  }
0x72: {  	[tilespmem:s24], [sflag:$0x4] =	stream.linear.gather @!p2 [hbm4b:s3+s23], $0x3000, $0x38;
	[tilespmem:$0x1BE00] =	vst v63  }
0x73: {  	_ =	swait.ge [sflag:s25], $0x3000  }
0x74: {  	[sflag:s25] =	ssyncset.done $0x0  }
0x75: {  	[sflag:s25] =	ssyncadd.s32 $0xFFFFD000  }
0x76: {  	_ =	swait.ge [sflag:s26], $0x3000  }
0x77: {  	[sflag:s26] =	ssyncset.done $0x0  }
0x78: {  	s23 =	simm.s32 $0x0;
	[sflag:s26] =	ssyncadd.s32 $0xFFFFD000  }
0x79: {  	v6 =	vld [tilespmem:s23+$0x9FF0]  }
0x7a: {  	v7 =	vld [tilespmem:s23+$0x9E00]  }
0x7b: {  	v8 =	vld [tilespmem:s23+$0x9E10]  }
0x7c: {  	v9 =	vld [tilespmem:s23+$0x9E20]  }
0x7d: {  	v10 =	vld [tilespmem:s23+$0x9E30]  }
0x7e: {  	v11 =	vld [tilespmem:s23+$0x9E40]  }
0x7f: {  	v12 =	vld [tilespmem:s23+$0x9E50]  }
0x80: {  	v13 =	vld [tilespmem:s23+$0x9E60]  }
0x81: {  	v14 =	vld [tilespmem:s23+$0x9E70]  }
0x82: {  	v15 =	vld [tilespmem:s23+$0x9E80]  }
0x83: {  	v16 =	vld [tilespmem:s23+$0x9E90]  }
0x84: {  	v17 =	vld [tilespmem:s23+$0x9EA0]  }
0x85: {  	v18 =	vld [tilespmem:s23+$0x9EB0]  }
0x86: {  	v19 =	vld [tilespmem:s23+$0x9EC0]  }
0x87: {  	v20 =	vld [tilespmem:s23+$0x9ED0]  }
0x88: {  	v21 =	vld [tilespmem:s23+$0x9EE0]  }
0x89: {  	v22 =	vld [tilespmem:s23+$0x9EF0]  }
0x8a: {  	v23 =	vld [tilespmem:s23+$0x9F00]  }
0x8b: {  	v24 =	vld [tilespmem:s23+$0x9F10]  }
0x8c: {  	v25 =	vld [tilespmem:s23+$0x9F20]  }
0x8d: {  	v26 =	vld [tilespmem:s23+$0x9F30]  }
0x8e: {  	v27 =	vld [tilespmem:s23+$0x9F40]  }
0x8f: {  	v28 =	vld [tilespmem:s23+$0x9F50]  }
0x90: {  	v29 =	vld [tilespmem:s23+$0x9F60]  }
0x91: {  	v30 =	vld [tilespmem:s23+$0x9F70]  }
0x92: {  	v31 =	vld [tilespmem:s23+$0x9F80]  }
0x93: {  	v32 =	vld [tilespmem:s23+$0x9F90]  }
0x94: {  	v33 =	vld [tilespmem:s23+$0x9FA0]  }
0x95: {  	v34 =	vld [tilespmem:s23+$0x9FB0]  }
0x96: {  	v35 =	vld [tilespmem:s23+$0x9FC0]  }
0x97: {  	v36 =	vld [tilespmem:s23+$0x9FD0]  }
0x98: {  	[tilespmem:s23+$0x3FF0] =	vst.add.f32.msk $0xffff, v6  }
0x99: {  	v6 =	vld [tilespmem:s23+$0x9FE0]  }
0x9a: {  	[tilespmem:s23+$0x3E00] =	vst.add.f32.msk $0xffff, v7  }
0x9b: {  	[tilespmem:s23+$0x3E10] =	vst.add.f32.msk $0xffff, v8  }
0x9c: {  	[tilespmem:s23+$0x3E20] =	vst.add.f32.msk $0xffff, v9  }
0x9d: {  	[tilespmem:s23+$0x3E30] =	vst.add.f32.msk $0xffff, v10  }
0x9e: {  	[tilespmem:s23+$0x3E40] =	vst.add.f32.msk $0xffff, v11  }
0x9f: {  	[tilespmem:s23+$0x3E50] =	vst.add.f32.msk $0xffff, v12  }
0xa0: {  	[tilespmem:s23+$0x3E60] =	vst.add.f32.msk $0xffff, v13  }
0xa1: {  	[tilespmem:s23+$0x3E70] =	vst.add.f32.msk $0xffff, v14  }
0xa2: {  	[tilespmem:s23+$0x3E80] =	vst.add.f32.msk $0xffff, v15  }
0xa3: {  	[tilespmem:s23+$0x3E90] =	vst.add.f32.msk $0xffff, v16  }
0xa4: {  	[tilespmem:s23+$0x3EA0] =	vst.add.f32.msk $0xffff, v17  }
0xa5: {  	[tilespmem:s23+$0x3EB0] =	vst.add.f32.msk $0xffff, v18  }
0xa6: {  	[tilespmem:s23+$0x3EC0] =	vst.add.f32.msk $0xffff, v19  }
0xa7: {  	[tilespmem:s23+$0x3ED0] =	vst.add.f32.msk $0xffff, v20  }
0xa8: {  	[tilespmem:s23+$0x3EE0] =	vst.add.f32.msk $0xffff, v21  }
0xa9: {  	[tilespmem:s23+$0x3EF0] =	vst.add.f32.msk $0xffff, v22  }
0xaa: {  	[tilespmem:s23+$0x3F00] =	vst.add.f32.msk $0xffff, v23  }
0xab: {  	[tilespmem:s23+$0x3F10] =	vst.add.f32.msk $0xffff, v24  }
0xac: {  	[tilespmem:s23+$0x3F20] =	vst.add.f32.msk $0xffff, v25  }
0xad: {  	[tilespmem:s23+$0x3F30] =	vst.add.f32.msk $0xffff, v26  }
0xae: {  	[tilespmem:s23+$0x3F40] =	vst.add.f32.msk $0xffff, v27  }
0xaf: {  	[tilespmem:s23+$0x3F50] =	vst.add.f32.msk $0xffff, v28  }
0xb0: {  	[tilespmem:s23+$0x3F60] =	vst.add.f32.msk $0xffff, v29  }
0xb1: {  	[tilespmem:s23+$0x3F70] =	vst.add.f32.msk $0xffff, v30  }
0xb2: {  	[tilespmem:s23+$0x3F80] =	vst.add.f32.msk $0xffff, v31  }
0xb3: {  	[tilespmem:s23+$0x3F90] =	vst.add.f32.msk $0xffff, v32  }
0xb4: {  	[tilespmem:s23+$0x3FA0] =	vst.add.f32.msk $0xffff, v33  }
0xb5: {  	[tilespmem:s23+$0x3FB0] =	vst.add.f32.msk $0xffff, v34  }
0xb6: {  	[tilespmem:s23+$0x3FC0] =	vst.add.f32.msk $0xffff, v35  }
0xb7: {  	s31 =	simm.s32 $0x0;
	s3 =	simm.s32 $0x800;
	[tilespmem:s23+$0x3FD0] =	vst.add.f32.msk $0xffff, v36  }
.LBB2_4:
0xb8: {  	s31 =	sadd.s32 $0x4, s31;
	[tilespmem:s23+$0x3FE0] =	vst.add.f32.msk $0xffff, v6;
	s23 =	sshra.s32 s3, $0x2  }
0xb9: {  	v6 =	vld [tilespmem:s23+$0x9FF0];
	p4 =	slt.u32 s31, $0x5C  }
0xba: {  	v7 =	vld [tilespmem:s23+$0x9E00]  }
0xbb: {  	v8 =	vld [tilespmem:s23+$0x9E10]  }
0xbc: {  	v9 =	vld [tilespmem:s23+$0x9E20]  }
0xbd: {  	v10 =	vld [tilespmem:s23+$0x9E30]  }
0xbe: {  	[tilespmem:s23+$0x3FF0] =	vst.add.f32.msk $0xffff, v6  }
0xbf: {  	v11 =	vld [tilespmem:s23+$0x9E40]  }
0xc0: {  	v12 =	vld [tilespmem:s23+$0x9E50]  }
0xc1: {  	v13 =	vld [tilespmem:s23+$0x9E60]  }
0xc2: {  	v14 =	vld [tilespmem:s23+$0x9E70]  }
0xc3: {  	v15 =	vld [tilespmem:s23+$0x9E80]  }
0xc4: {  	v16 =	vld [tilespmem:s23+$0x9E90]  }
0xc5: {  	v17 =	vld [tilespmem:s23+$0x9EA0]  }
0xc6: {  	v18 =	vld [tilespmem:s23+$0x9EB0]  }
0xc7: {  	v19 =	vld [tilespmem:s23+$0x9EC0]  }
0xc8: {  	v20 =	vld [tilespmem:s23+$0x9ED0]  }
0xc9: {  	v21 =	vld [tilespmem:s23+$0x9EE0]  }
0xca: {  	v22 =	vld [tilespmem:s23+$0x9EF0]  }
0xcb: {  	v23 =	vld [tilespmem:s23+$0x9F00]  }
0xcc: {  	v24 =	vld [tilespmem:s23+$0x9F10]  }
0xcd: {  	v25 =	vld [tilespmem:s23+$0x9F20]  }
0xce: {  	v26 =	vld [tilespmem:s23+$0x9F30]  }
0xcf: {  	v27 =	vld [tilespmem:s23+$0x9F40]  }
0xd0: {  	v28 =	vld [tilespmem:s23+$0x9F50]  }
0xd1: {  	v29 =	vld [tilespmem:s23+$0x9F60]  }
0xd2: {  	v30 =	vld [tilespmem:s23+$0x9F70]  }
0xd3: {  	v31 =	vld [tilespmem:s23+$0x9F80]  }
0xd4: {  	v32 =	vld [tilespmem:s23+$0x9F90]  }
0xd5: {  	v33 =	vld [tilespmem:s23+$0x9FA0]  }
0xd6: {  	v34 =	vld [tilespmem:s23+$0x9FB0]  }
0xd7: {  	v35 =	vld [tilespmem:s23+$0x9FC0]  }
0xd8: {  	v36 =	vld [tilespmem:s23+$0x9FD0]  }
0xd9: {  	v6 =	vld [tilespmem:s23+$0x9FE0]  }
0xda: {  	[tilespmem:s23+$0x3E00] =	vst.add.f32.msk $0xffff, v7  }
0xdb: {  	[tilespmem:s23+$0x3E10] =	vst.add.f32.msk $0xffff, v8  }
0xdc: {  	[tilespmem:s23+$0x3E20] =	vst.add.f32.msk $0xffff, v9  }
0xdd: {  	[tilespmem:s23+$0x3E30] =	vst.add.f32.msk $0xffff, v10  }
0xde: {  	[tilespmem:s23+$0x3E40] =	vst.add.f32.msk $0xffff, v11  }
0xdf: {  	[tilespmem:s23+$0x3E50] =	vst.add.f32.msk $0xffff, v12  }
0xe0: {  	[tilespmem:s23+$0x3E60] =	vst.add.f32.msk $0xffff, v13  }
0xe1: {  	[tilespmem:s23+$0x3E70] =	vst.add.f32.msk $0xffff, v14  }
0xe2: {  	[tilespmem:s23+$0x3E80] =	vst.add.f32.msk $0xffff, v15  }
0xe3: {  	[tilespmem:s23+$0x3E90] =	vst.add.f32.msk $0xffff, v16  }
0xe4: {  	[tilespmem:s23+$0x3EA0] =	vst.add.f32.msk $0xffff, v17  }
0xe5: {  	[tilespmem:s23+$0x3EB0] =	vst.add.f32.msk $0xffff, v18  }
0xe6: {  	[tilespmem:s23+$0x3EC0] =	vst.add.f32.msk $0xffff, v19  }
0xe7: {  	[tilespmem:s23+$0x3ED0] =	vst.add.f32.msk $0xffff, v20  }
0xe8: {  	[tilespmem:s23+$0x3EE0] =	vst.add.f32.msk $0xffff, v21  }
0xe9: {  	[tilespmem:s23+$0x3EF0] =	vst.add.f32.msk $0xffff, v22  }
0xea: {  	[tilespmem:s23+$0x3F00] =	vst.add.f32.msk $0xffff, v23  }
0xeb: {  	[tilespmem:s23+$0x3F10] =	vst.add.f32.msk $0xffff, v24  }
0xec: {  	[tilespmem:s23+$0x3F20] =	vst.add.f32.msk $0xffff, v25  }
0xed: {  	[tilespmem:s23+$0x3F30] =	vst.add.f32.msk $0xffff, v26  }
0xee: {  	[tilespmem:s23+$0x3F40] =	vst.add.f32.msk $0xffff, v27  }
0xef: {  	[tilespmem:s23+$0x3F50] =	vst.add.f32.msk $0xffff, v28  }
0xf0: {  	[tilespmem:s23+$0x3F60] =	vst.add.f32.msk $0xffff, v29  }
0xf1: {  	[tilespmem:s23+$0x3F70] =	vst.add.f32.msk $0xffff, v30  }
0xf2: {  	[tilespmem:s23+$0x3F80] =	vst.add.f32.msk $0xffff, v31  }
.Ltmp5:
0xf3: {  	[tilespmem:s23+$0x3F90] =	vst.add.f32.msk $0xffff, v32;
	(pc) =	sbr.rel @p4 .LBB2_4-.Ltmp5, $4  }
0xf4: {  	[tilespmem:s23+$0x3FA0] =	vst.add.f32.msk $0xffff, v33  }
0xf5: {  	[tilespmem:s23+$0x3FB0] =	vst.add.f32.msk $0xffff, v34  }
0xf6: {  	[tilespmem:s23+$0x3FC0] =	vst.add.f32.msk $0xffff, v35  }
0xf7: {  	s3 =	sadd.s32 $0x800, s3;
	[tilespmem:s23+$0x3FD0] =	vst.add.f32.msk $0xffff, v36  }
0xf8: {  	s3 =	sadd.s32 s6, s21  }
0xf9: {  	s3 =	smul.u32 $0x600, s3;
	_ =	sdelay $0x1  }
0xfa: {  	[tilespmem:s23+$0x3FE0] =	vst.add.f32.msk $0xffff, v6;
	s3 =	sadd.s32 s4, s3  }
0xfb: {  	[hbm4b:s3+s5] =	stream.linear.scatter [tilespmem:s20], [sflag:$0x5], $0x3000, $0x38;
	[tilespmem:$0x1BE00] =	vst v63  }
.LBB2_6:
0xfc: {  	s3 =	sadd.s32 $0x4, s21  }
0xfd: {  	p4 =	sge.u32 s3, s7  }
0xfe: {  	s23 =	simm.s32 @!p4 $0xB;
	s24 =	sadd.s32 @!p4 s6, s3  }
0xff: {  	_ =	swait.ge @!p4 [sflag:s23], $0x600;
	s24 =	smul.u32 @!p4 $0x600, s24  }
0x100: {  	s31 =	sshrl.u32 @!p4 s11, $0x3;
	[sflag:s23] =	ssyncset.done @!p4 $0x0  }
0x101: {  	s3 =	smul.u32 @!p4 $0x180, s3;
	[sflag:s23] =	ssyncadd.s32 @!p4 $0xFFFFFA00;
	s23 =	sadd.s32 @!p4 s2, s24  }
0x102: {  	[spmem:s31], [sflag:s22] =	dma.local @!p4 [hbm:s23], $0x600  }
0x103: {  	s14 =	simm.s32 @!p4 $0xFE00;
	s3 =	sshra.s32 @!p4 s3, $0x2;
	s23 =	simm.s32 @!p4 $0x60  }
0x104: {  	[tilespmem:s14], [sflag:$0x7] =	stream.indirect.gather @!p4 [hbm4b:s1+s23], $0x80, s3, s23, $0xb8;
	[tilespmem:$0x1BE00] =	vst v63  }
0x105: {  	s3 =	simm.s32 @!p3 $0x8  }
0x106: {  	_ =	swait.ge @!p3 [sflag:s3], $0x3000  }
0x107: {  	[sflag:s3] =	ssyncset.done @!p3 $0x0  }
0x108: {  	[sflag:s3] =	ssyncadd.s32 @!p3 $0xFFFFD000;
	s3 =	simm.s32 @!p3 $0xA  }
0x109: {  	_ =	swait.ge @!p3 [sflag:s3], $0x600  }
0x10a: {  	[sflag:s3] =	ssyncset.done @!p3 $0x0  }
0x10b: {  	[sflag:s3] =	ssyncadd.s32 @!p3 $0xFFFFFA00;
	s3 =	simm.s32 @!p3 $0x3D80  }
0x10c: {  	[spmem:s13] =	stream.indirect.scatter.add.f32 @!p3 [tilespmem:s17], [sflag:$0xD], $0x80, s3, s12, $0xb8;
	[tilespmem:$0x1BE00] =	vst v63  }
0x10d: {  	s3 =	simm.s32 @!p3 $0xD  }
0x10e: {  	_ =	swait.ge @!p3 [sflag:s3], $0x3000  }
0x10f: {  	[sflag:s3] =	ssyncset.done @!p3 $0x0  }
0x110: {  	[sflag:s3] =	ssyncadd.s32 @!p3 $0xFFFFD000;
	s3 =	sadd.s32 @!p3 s4, s9;
	s9 =	sor.u32 @!p3 $0x1C0C, s10  }
0x111: {  	[hbm:s3], [sflag:s9] =	dma.local @!p3 [spmem:s19], $0x600  }
0x112: {  	s3 =	sadd.s32 $0x5, s21  }
0x113: {  	p3 =	sge.u32 s3, s7  }
0x114: {  	s10 =	simm.s32 @!p3 $0xC  }
0x115: {  	s9 =	sadd.s32 @!p3 s6, s3;
	_ =	swait.ge @!p3 [sflag:s10], $0x600  }
0x116: {  	s9 =	smul.u32 @!p3 $0x600, s9;
	[sflag:s10] =	ssyncset.done @!p3 $0x0  }
0x117: {  	s19 =	sshrl.u32 @!p3 s13, $0x3;
	[sflag:s10] =	ssyncadd.s32 @!p3 $0xFFFFFA00;
	s10 =	sshll.u32 @!p3 s0, $0x6  }
0x118: {  	s3 =	smul.u32 @!p3 $0x180, s3;
	s12 =	sadd.s32 @!p3 s2, s9;
	s17 =	sor.u32 @!p3 $0x1C0A, s10  }
0x119: {  	[spmem:s19], [sflag:s17] =	dma.local @!p3 [hbm:s12], $0x600  }
0x11a: {  	s3 =	sshra.s32 @!p3 s3, $0x2;
	s12 =	simm.s32 @!p3 $0x60;
	s17 =	simm.s32 @!p3 $0x12E00  }
0x11b: {  	[tilespmem:s17], [sflag:$0x8] =	stream.indirect.gather @!p3 [hbm4b:s1+s12], $0x80, s3, s12, $0xb8;
	[tilespmem:$0x1BE00] =	vst v63  }
0x11c: {  	s3 =	simm.s32 @!p4 $0x7  }
0x11d: {  	_ =	swait.ge @!p4 [sflag:s3], $0x3000  }
0x11e: {  	[sflag:s3] =	ssyncset.done @!p4 $0x0  }
0x11f: {  	[sflag:s3] =	ssyncadd.s32 @!p4 $0xFFFFD000;
	s3 =	simm.s32 @!p4 $0x9  }
0x120: {  	_ =	swait.ge @!p4 [sflag:s3], $0x600  }
0x121: {  	[sflag:s3] =	ssyncset.done @!p4 $0x0  }
0x122: {  	[sflag:s3] =	ssyncadd.s32 @!p4 $0xFFFFFA00;
	s3 =	simm.s32 @!p4 $0x3D80  }
0x123: {  	[spmem:s11] =	stream.indirect.scatter.add.f32 @!p4 [tilespmem:s14], [sflag:$0xD], $0x80, s3, s23, $0xb8;
	[tilespmem:$0x1BE00] =	vst v63  }
0x124: {  	s3 =	simm.s32 @!p4 $0xD  }
0x125: {  	_ =	swait.ge @!p4 [sflag:s3], $0x3000  }
0x126: {  	s14 =	sshll.u32 @!p4 s0, $0x6;
	[sflag:s3] =	ssyncset.done @!p4 $0x0  }
0x127: {  	s14 =	sor.u32 @!p4 $0x1C0B, s14;
	[sflag:s3] =	ssyncadd.s32 @!p4 $0xFFFFD000;
	s3 =	sadd.s32 @!p4 s4, s24  }
0x128: {  	[hbm:s3], [sflag:s14] =	dma.local @!p4 [spmem:s31], $0x600  }
0x129: {  	s3 =	sadd.s32 $0x6, s21  }
0x12a: {  	p4 =	sge.u32 s3, s7  }
0x12b: {  	s14 =	simm.s32 @!p4 $0x5;
	s23 =	smul.u32 @!p4 $0x180, s3;
	s3 =	sadd.s32 @!p4 s6, s3  }
0x12c: {  	_ =	swait.ge @!p4 [sflag:s14], $0x3000;
	s3 =	smul.u32 @!p4 $0x600, s3  }
.Ltmp6:
0x12d: {  	s24 =	simm.s32 @!p4 $0x3E00;
	[sflag:s14] =	ssyncset.done @!p4 $0x0;
	(pc) =	sbr.rel @p2 .LBB2_10-.Ltmp6, $4  }
0x12e: {  	[sflag:s14] =	ssyncadd.s32 @!p4 $0xFFFFD000;
	s14 =	sshra.s32 @!p4 s23, $0x2;
	s23 =	simm.s32 @!p4 $0x60  }
0x12f: {  	[tilespmem:s24], [sflag:$0x1] =	stream.indirect.gather @!p4 [hbm4b:s1+s23], $0x80, s14, s23, $0xb8;
	[tilespmem:$0x1BE00] =	vst v63  }
0x130: {  	s3 =	sadd.s32 @!p4 s2, s3;
	s14 =	simm.s32 @!p4 $0x0;
	s23 =	simm.s32 @!p4 $0x9E00  }
0x131: {  	[tilespmem:s23], [sflag:$0x3] =	stream.linear.gather @!p4 [hbm4b:s3+s14], $0x3000, $0x38;
	[tilespmem:$0x1BE00] =	vst v63  }
0x132: {  	_ =	swait.ge [sflag:s28], $0x3000  }
0x133: {  	[sflag:s28] =	ssyncset.done $0x0  }
0x134: {  	[sflag:s28] =	ssyncadd.s32 $0xFFFFD000  }
0x135: {  	_ =	swait.ge [sflag:s29], $0x3000  }
0x136: {  	[sflag:s29] =	ssyncset.done $0x0  }
0x137: {  	s23 =	simm.s32 $0x0;
	[sflag:s29] =	ssyncadd.s32 $0xFFFFD000  }
0x138: {  	v6 =	vld [tilespmem:s23+$0xCFF0]  }
0x139: {  	v7 =	vld [tilespmem:s23+$0xCE00]  }
0x13a: {  	v8 =	vld [tilespmem:s23+$0xCE10]  }
0x13b: {  	v9 =	vld [tilespmem:s23+$0xCE20]  }
0x13c: {  	v10 =	vld [tilespmem:s23+$0xCE30]  }
0x13d: {  	v11 =	vld [tilespmem:s23+$0xCE40]  }
0x13e: {  	v12 =	vld [tilespmem:s23+$0xCE50]  }
0x13f: {  	v13 =	vld [tilespmem:s23+$0xCE60]  }
0x140: {  	v14 =	vld [tilespmem:s23+$0xCE70]  }
0x141: {  	v15 =	vld [tilespmem:s23+$0xCE80]  }
0x142: {  	v16 =	vld [tilespmem:s23+$0xCE90]  }
0x143: {  	v17 =	vld [tilespmem:s23+$0xCEA0]  }
0x144: {  	v18 =	vld [tilespmem:s23+$0xCEB0]  }
0x145: {  	v19 =	vld [tilespmem:s23+$0xCEC0]  }
0x146: {  	v20 =	vld [tilespmem:s23+$0xCED0]  }
0x147: {  	v21 =	vld [tilespmem:s23+$0xCEE0]  }
0x148: {  	v22 =	vld [tilespmem:s23+$0xCEF0]  }
0x149: {  	v23 =	vld [tilespmem:s23+$0xCF00]  }
0x14a: {  	v24 =	vld [tilespmem:s23+$0xCF10]  }
0x14b: {  	v25 =	vld [tilespmem:s23+$0xCF20]  }
0x14c: {  	v26 =	vld [tilespmem:s23+$0xCF30]  }
0x14d: {  	v27 =	vld [tilespmem:s23+$0xCF40]  }
0x14e: {  	v28 =	vld [tilespmem:s23+$0xCF50]  }
0x14f: {  	v29 =	vld [tilespmem:s23+$0xCF60]  }
0x150: {  	v30 =	vld [tilespmem:s23+$0xCF70]  }
0x151: {  	v31 =	vld [tilespmem:s23+$0xCF80]  }
0x152: {  	v32 =	vld [tilespmem:s23+$0xCF90]  }
0x153: {  	v33 =	vld [tilespmem:s23+$0xCFA0]  }
0x154: {  	v34 =	vld [tilespmem:s23+$0xCFB0]  }
0x155: {  	v35 =	vld [tilespmem:s23+$0xCFC0]  }
0x156: {  	v36 =	vld [tilespmem:s23+$0xCFD0]  }
0x157: {  	[tilespmem:s23+$0x6FF0] =	vst.add.f32.msk $0xffff, v6  }
0x158: {  	v6 =	vld [tilespmem:s23+$0xCFE0]  }
0x159: {  	[tilespmem:s23+$0x6E00] =	vst.add.f32.msk $0xffff, v7  }
0x15a: {  	[tilespmem:s23+$0x6E10] =	vst.add.f32.msk $0xffff, v8  }
0x15b: {  	[tilespmem:s23+$0x6E20] =	vst.add.f32.msk $0xffff, v9  }
0x15c: {  	[tilespmem:s23+$0x6E30] =	vst.add.f32.msk $0xffff, v10  }
0x15d: {  	[tilespmem:s23+$0x6E40] =	vst.add.f32.msk $0xffff, v11  }
0x15e: {  	[tilespmem:s23+$0x6E50] =	vst.add.f32.msk $0xffff, v12  }
0x15f: {  	[tilespmem:s23+$0x6E60] =	vst.add.f32.msk $0xffff, v13  }
0x160: {  	[tilespmem:s23+$0x6E70] =	vst.add.f32.msk $0xffff, v14  }
0x161: {  	[tilespmem:s23+$0x6E80] =	vst.add.f32.msk $0xffff, v15  }
0x162: {  	[tilespmem:s23+$0x6E90] =	vst.add.f32.msk $0xffff, v16  }
0x163: {  	[tilespmem:s23+$0x6EA0] =	vst.add.f32.msk $0xffff, v17  }
0x164: {  	[tilespmem:s23+$0x6EB0] =	vst.add.f32.msk $0xffff, v18  }
0x165: {  	[tilespmem:s23+$0x6EC0] =	vst.add.f32.msk $0xffff, v19  }
0x166: {  	[tilespmem:s23+$0x6ED0] =	vst.add.f32.msk $0xffff, v20  }
0x167: {  	[tilespmem:s23+$0x6EE0] =	vst.add.f32.msk $0xffff, v21  }
0x168: {  	[tilespmem:s23+$0x6EF0] =	vst.add.f32.msk $0xffff, v22  }
0x169: {  	[tilespmem:s23+$0x6F00] =	vst.add.f32.msk $0xffff, v23  }
0x16a: {  	[tilespmem:s23+$0x6F10] =	vst.add.f32.msk $0xffff, v24  }
0x16b: {  	[tilespmem:s23+$0x6F20] =	vst.add.f32.msk $0xffff, v25  }
0x16c: {  	[tilespmem:s23+$0x6F30] =	vst.add.f32.msk $0xffff, v26  }
0x16d: {  	[tilespmem:s23+$0x6F40] =	vst.add.f32.msk $0xffff, v27  }
0x16e: {  	[tilespmem:s23+$0x6F50] =	vst.add.f32.msk $0xffff, v28  }
0x16f: {  	[tilespmem:s23+$0x6F60] =	vst.add.f32.msk $0xffff, v29  }
0x170: {  	[tilespmem:s23+$0x6F70] =	vst.add.f32.msk $0xffff, v30  }
0x171: {  	[tilespmem:s23+$0x6F80] =	vst.add.f32.msk $0xffff, v31  }
0x172: {  	[tilespmem:s23+$0x6F90] =	vst.add.f32.msk $0xffff, v32  }
0x173: {  	[tilespmem:s23+$0x6FA0] =	vst.add.f32.msk $0xffff, v33  }
0x174: {  	[tilespmem:s23+$0x6FB0] =	vst.add.f32.msk $0xffff, v34  }
0x175: {  	[tilespmem:s23+$0x6FC0] =	vst.add.f32.msk $0xffff, v35  }
0x176: {  	s31 =	simm.s32 $0x0;
	s3 =	simm.s32 $0x800;
	[tilespmem:s23+$0x6FD0] =	vst.add.f32.msk $0xffff, v36  }
.LBB2_8:
0x177: {  	s31 =	sadd.s32 $0x4, s31;
	[tilespmem:s23+$0x6FE0] =	vst.add.f32.msk $0xffff, v6;
	s23 =	sshra.s32 s3, $0x2  }
0x178: {  	v6 =	vld [tilespmem:s23+$0xCFF0];
	p2 =	slt.u32 s31, $0x5C  }
0x179: {  	v7 =	vld [tilespmem:s23+$0xCE00]  }
0x17a: {  	v8 =	vld [tilespmem:s23+$0xCE10]  }
0x17b: {  	v9 =	vld [tilespmem:s23+$0xCE20]  }
0x17c: {  	v10 =	vld [tilespmem:s23+$0xCE30]  }
0x17d: {  	[tilespmem:s23+$0x6FF0] =	vst.add.f32.msk $0xffff, v6  }
0x17e: {  	v11 =	vld [tilespmem:s23+$0xCE40]  }
0x17f: {  	v12 =	vld [tilespmem:s23+$0xCE50]  }
0x180: {  	v13 =	vld [tilespmem:s23+$0xCE60]  }
0x181: {  	v14 =	vld [tilespmem:s23+$0xCE70]  }
0x182: {  	v15 =	vld [tilespmem:s23+$0xCE80]  }
0x183: {  	v16 =	vld [tilespmem:s23+$0xCE90]  }
0x184: {  	v17 =	vld [tilespmem:s23+$0xCEA0]  }
0x185: {  	v18 =	vld [tilespmem:s23+$0xCEB0]  }
0x186: {  	v19 =	vld [tilespmem:s23+$0xCEC0]  }
0x187: {  	v20 =	vld [tilespmem:s23+$0xCED0]  }
0x188: {  	v21 =	vld [tilespmem:s23+$0xCEE0]  }
0x189: {  	v22 =	vld [tilespmem:s23+$0xCEF0]  }
0x18a: {  	v23 =	vld [tilespmem:s23+$0xCF00]  }
0x18b: {  	v24 =	vld [tilespmem:s23+$0xCF10]  }
0x18c: {  	v25 =	vld [tilespmem:s23+$0xCF20]  }
0x18d: {  	v26 =	vld [tilespmem:s23+$0xCF30]  }
0x18e: {  	v27 =	vld [tilespmem:s23+$0xCF40]  }
0x18f: {  	v28 =	vld [tilespmem:s23+$0xCF50]  }
0x190: {  	v29 =	vld [tilespmem:s23+$0xCF60]  }
0x191: {  	v30 =	vld [tilespmem:s23+$0xCF70]  }
0x192: {  	v31 =	vld [tilespmem:s23+$0xCF80]  }
0x193: {  	v32 =	vld [tilespmem:s23+$0xCF90]  }
0x194: {  	v33 =	vld [tilespmem:s23+$0xCFA0]  }
0x195: {  	v34 =	vld [tilespmem:s23+$0xCFB0]  }
0x196: {  	v35 =	vld [tilespmem:s23+$0xCFC0]  }
0x197: {  	v36 =	vld [tilespmem:s23+$0xCFD0]  }
0x198: {  	v6 =	vld [tilespmem:s23+$0xCFE0]  }
0x199: {  	[tilespmem:s23+$0x6E00] =	vst.add.f32.msk $0xffff, v7  }
0x19a: {  	[tilespmem:s23+$0x6E10] =	vst.add.f32.msk $0xffff, v8  }
0x19b: {  	[tilespmem:s23+$0x6E20] =	vst.add.f32.msk $0xffff, v9  }
0x19c: {  	[tilespmem:s23+$0x6E30] =	vst.add.f32.msk $0xffff, v10  }
0x19d: {  	[tilespmem:s23+$0x6E40] =	vst.add.f32.msk $0xffff, v11  }
0x19e: {  	[tilespmem:s23+$0x6E50] =	vst.add.f32.msk $0xffff, v12  }
0x19f: {  	[tilespmem:s23+$0x6E60] =	vst.add.f32.msk $0xffff, v13  }
0x1a0: {  	[tilespmem:s23+$0x6E70] =	vst.add.f32.msk $0xffff, v14  }
0x1a1: {  	[tilespmem:s23+$0x6E80] =	vst.add.f32.msk $0xffff, v15  }
0x1a2: {  	[tilespmem:s23+$0x6E90] =	vst.add.f32.msk $0xffff, v16  }
0x1a3: {  	[tilespmem:s23+$0x6EA0] =	vst.add.f32.msk $0xffff, v17  }
0x1a4: {  	[tilespmem:s23+$0x6EB0] =	vst.add.f32.msk $0xffff, v18  }
0x1a5: {  	[tilespmem:s23+$0x6EC0] =	vst.add.f32.msk $0xffff, v19  }
0x1a6: {  	[tilespmem:s23+$0x6ED0] =	vst.add.f32.msk $0xffff, v20  }
0x1a7: {  	[tilespmem:s23+$0x6EE0] =	vst.add.f32.msk $0xffff, v21  }
0x1a8: {  	[tilespmem:s23+$0x6EF0] =	vst.add.f32.msk $0xffff, v22  }
0x1a9: {  	[tilespmem:s23+$0x6F00] =	vst.add.f32.msk $0xffff, v23  }
0x1aa: {  	[tilespmem:s23+$0x6F10] =	vst.add.f32.msk $0xffff, v24  }
0x1ab: {  	[tilespmem:s23+$0x6F20] =	vst.add.f32.msk $0xffff, v25  }
0x1ac: {  	[tilespmem:s23+$0x6F30] =	vst.add.f32.msk $0xffff, v26  }
0x1ad: {  	[tilespmem:s23+$0x6F40] =	vst.add.f32.msk $0xffff, v27  }
0x1ae: {  	[tilespmem:s23+$0x6F50] =	vst.add.f32.msk $0xffff, v28  }
0x1af: {  	[tilespmem:s23+$0x6F60] =	vst.add.f32.msk $0xffff, v29  }
0x1b0: {  	[tilespmem:s23+$0x6F70] =	vst.add.f32.msk $0xffff, v30  }
0x1b1: {  	[tilespmem:s23+$0x6F80] =	vst.add.f32.msk $0xffff, v31  }
.Ltmp7:
0x1b2: {  	[tilespmem:s23+$0x6F90] =	vst.add.f32.msk $0xffff, v32;
	(pc) =	sbr.rel @p2 .LBB2_8-.Ltmp7, $4  }
0x1b3: {  	[tilespmem:s23+$0x6FA0] =	vst.add.f32.msk $0xffff, v33  }
0x1b4: {  	[tilespmem:s23+$0x6FB0] =	vst.add.f32.msk $0xffff, v34  }
0x1b5: {  	[tilespmem:s23+$0x6FC0] =	vst.add.f32.msk $0xffff, v35  }
0x1b6: {  	s3 =	sadd.s32 $0x800, s3;
	[tilespmem:s23+$0x6FD0] =	vst.add.f32.msk $0xffff, v36  }
.Ltmp8:
0x1b7: {  	s3 =	sadd.s32 s6, s8;
	(pc) =	sbr.rel .LBB2_10-.Ltmp8, $3  }
0x1b8: {  	s3 =	smul.u32 $0x600, s3;
	_ =	sdelay $0x1  }
0x1b9: {  	[tilespmem:s23+$0x6FE0] =	vst.add.f32.msk $0xffff, v6;
	s3 =	sadd.s32 s4, s3  }
0x1ba: {  	[hbm4b:s3+s5] =	stream.linear.scatter [tilespmem:s30], [sflag:$0x6], $0x3000, $0x38;
	[tilespmem:$0x1BE00] =	vst v63  }
.LBB2_11:
0x1bb: {  	s3 =	simm.s32 $0x5  }
0x1bc: {  	_ =	swait.ge [sflag:s3], $0x3000  }
0x1bd: {  	[sflag:s3] =	ssyncset.done $0x0  }
0x1be: {  	s23 =	simm.s32 $0x6;
	[sflag:s3] =	ssyncadd.s32 $0xFFFFD000  }
0x1bf: {  	_ =	swait.ge [sflag:s23], $0x3000  }
0x1c0: {  	[sflag:s23] =	ssyncset.done $0x0  }
0x1c1: {  	s24 =	simm.s32 $0xB;
	[sflag:s23] =	ssyncadd.s32 $0xFFFFD000  }
0x1c2: {  	_ =	swait.ge [sflag:s24], $0x600  }
.Ltmp9:
0x1c3: {  	[sflag:s24] =	ssyncset.done $0x0;
	(pc) =	sbr.rel @p1 .LBB2_15-.Ltmp9, $4  }
0x1c4: {  	s31 =	simm.s32 $0xC;
	[sflag:s24] =	ssyncadd.s32 $0xFFFFFA00  }
0x1c5: {  	_ =	swait.ge [sflag:s31], $0x600  }
0x1c6: {  	[sflag:s31] =	ssyncset.done $0x0  }
0x1c7: {  	[sflag:s31] =	ssyncadd.s32 $0xFFFFFA00  }
0x1c8: {  	s3 =	simm.s32 $0x0;
	s8 =	rddreg [dreg:$0xa];
	s9 =	simm.s32 $0x3D20  }
0x1c9: {  	[tilespmem:s9], [sflag:$0xD] =	stream.linear.gather [hbm4b:s8+s3], $0x8, $0x38;
	[tilespmem:$0x1BE00] =	vst v63  }
0x1ca: {  	_ =	swait.ge [sflag:s18], $0x8  }
0x1cb: {  	[sflag:s18] =	ssyncset.done $0x0  }
0x1cc: {  	s23 =	simm.s32 $0x8;
	[sflag:s18] =	ssyncadd.s32 $0xFFFFFFF8  }
0x1cd: {  	[tilespmem:s20], [sflag:$0x1] =	stream.indirect.gather [hbm4b:s1+s23], $0x80, s9, s23, $0xb8;
	[tilespmem:$0x1BE00] =	vst v63  }
0x1ce: {  	_ =	swait.ge [sflag:s25], $0x400  }
0x1cf: {  	[sflag:s25] =	ssyncset.done $0x0  }
0x1d0: {  	s31 =	simm.s32 $0x9E00;
	s24 =	rddreg [dreg:$0xb];
	[sflag:s25] =	ssyncadd.s32 $0xFFFFFC00  }
0x1d1: {  	[tilespmem:s31], [sflag:$0xD] =	stream.linear.gather [hbm4b:s24+s3], $0x400, $0x38;
	[tilespmem:$0x1BE00] =	vst v63  }
0x1d2: {  	_ =	swait.ge [sflag:s18], $0x400  }
0x1d3: {  	[sflag:s18] =	ssyncset.done $0x0  }
0x1d4: {  	p2 =	por $0x1, $0x1;
	[sflag:s18] =	ssyncadd.s32 $0xFFFFFC00  }
.LBB2_13:
0x1d5: {  	v6 =	vld [tilespmem:s3+$0x9E00];
	_ =	sdelay $0x4  }
0x1d6: {  	[tilespmem:s3+$0x3E00] =	vst.add.f32.msk $0xffff, v6  }
0x1d7: {  	v6 =	vld [tilespmem:s3+$0x9E10];
	_ =	sdelay $0x4  }
0x1d8: {  	[tilespmem:s3+$0x3E10] =	vst.add.f32.msk $0xffff, v6  }
0x1d9: {  	v6 =	vld [tilespmem:s3+$0x9E20];
	_ =	sdelay $0x4  }
0x1da: {  	[tilespmem:s3+$0x3E20] =	vst.add.f32.msk $0xffff, v6  }
0x1db: {  	v6 =	vld [tilespmem:s3+$0x9E30];
	_ =	sdelay $0x4  }
0x1dc: {  	[tilespmem:s3+$0x3E30] =	vst.add.f32.msk $0xffff, v6  }
0x1dd: {  	v6 =	vld [tilespmem:s3+$0x9E40];
	_ =	sdelay $0x4  }
0x1de: {  	[tilespmem:s3+$0x3E40] =	vst.add.f32.msk $0xffff, v6  }
0x1df: {  	v6 =	vld [tilespmem:s3+$0x9E50];
	_ =	sdelay $0x4  }
0x1e0: {  	[tilespmem:s3+$0x3E50] =	vst.add.f32.msk $0xffff, v6  }
0x1e1: {  	v6 =	vld [tilespmem:s3+$0x9E60];
	_ =	sdelay $0x2  }
0x1e2: {  	v7 =	vld [tilespmem:s3+$0x9E80]  }
0x1e3: {  	v8 =	vld [tilespmem:s3+$0x9E70]  }
0x1e4: {  	[tilespmem:s3+$0x3E60] =	vst.add.f32.msk $0xffff, v6  }
0x1e5: {  	v6 =	vld [tilespmem:s3+$0x9F00]  }
0x1e6: {  	v9 =	vld [tilespmem:s3+$0x9F80]  }
0x1e7: {  	v57 =	vld [tilespmem:s3+$0x9F90]  }
0x1e8: {  	[tilespmem:s3+$0x3E80] =	vst.add.f32.msk $0xffff, v7  }
0x1e9: {  	v7 =	vld [tilespmem:s3+$0x9E90]  }
0x1ea: {  	[tilespmem:s3+$0x3F00] =	vst.add.f32.msk $0xffff, v6  }
0x1eb: {  	v6 =	vld [tilespmem:s3+$0x9F10]  }
0x1ec: {  	v58 =	vld [tilespmem:s3+$0x9FA0]  }
0x1ed: {  	v59 =	vld [tilespmem:s3+$0x9FB0]  }
0x1ee: {  	[tilespmem:s3+$0x3E90] =	vst.add.f32.msk $0xffff, v7  }
0x1ef: {  	v7 =	vld [tilespmem:s3+$0x9EA0]  }
0x1f0: {  	[tilespmem:s3+$0x3F10] =	vst.add.f32.msk $0xffff, v6  }
0x1f1: {  	v6 =	vld [tilespmem:s3+$0x9F20]  }
0x1f2: {  	v60 =	vld [tilespmem:s3+$0x9FC0]  }
0x1f3: {  	v61 =	vld [tilespmem:s3+$0x9FD0]  }
0x1f4: {  	[tilespmem:s3+$0x3EA0] =	vst.add.f32.msk $0xffff, v7  }
0x1f5: {  	v7 =	vld [tilespmem:s3+$0x9EB0]  }
0x1f6: {  	[tilespmem:s3+$0x3F20] =	vst.add.f32.msk $0xffff, v6  }
0x1f7: {  	v6 =	vld [tilespmem:s3+$0x9F30]  }
0x1f8: {  	v62 =	vld [tilespmem:s3+$0x9FE0]  }
0x1f9: {  	v63 =	vld [tilespmem:s3+$0x9FF0]  }
0x1fa: {  	[tilespmem:s3+$0x3EB0] =	vst.add.f32.msk $0xffff, v7  }
0x1fb: {  	v7 =	vld [tilespmem:s3+$0x9EC0]  }
0x1fc: {  	[tilespmem:s3+$0x3F30] =	vst.add.f32.msk $0xffff, v6  }
0x1fd: {  	v6 =	vld [tilespmem:s3+$0x9F40]  }
0x1fe: {  	[tilespmem:s3+$0x3F80] =	vst.add.f32.msk $0xffff, v9  }
0x1ff: {  	[tilespmem:s3+$0x3F90] =	vst.add.f32.msk $0xffff, v57  }
0x200: {  	[tilespmem:s3+$0x3EC0] =	vst.add.f32.msk $0xffff, v7  }
0x201: {  	v7 =	vld [tilespmem:s3+$0x9ED0]  }
0x202: {  	[tilespmem:s3+$0x3F40] =	vst.add.f32.msk $0xffff, v6  }
0x203: {  	v6 =	vld [tilespmem:s3+$0x9F50]  }
0x204: {  	[tilespmem:s3+$0x3FA0] =	vst.add.f32.msk $0xffff, v58  }
0x205: {  	[tilespmem:s3+$0x3FB0] =	vst.add.f32.msk $0xffff, v59  }
0x206: {  	[tilespmem:s3+$0x3ED0] =	vst.add.f32.msk $0xffff, v7  }
0x207: {  	v7 =	vld [tilespmem:s3+$0x9EE0]  }
0x208: {  	[tilespmem:s3+$0x3F50] =	vst.add.f32.msk $0xffff, v6  }
0x209: {  	v6 =	vld [tilespmem:s3+$0x9F60]  }
0x20a: {  	[tilespmem:s3+$0x3FC0] =	vst.add.f32.msk $0xffff, v60  }
0x20b: {  	[tilespmem:s3+$0x3FD0] =	vst.add.f32.msk $0xffff, v61  }
0x20c: {  	[tilespmem:s3+$0x3EE0] =	vst.add.f32.msk $0xffff, v7  }
0x20d: {  	v7 =	vld [tilespmem:s3+$0x9EF0]  }
0x20e: {  	[tilespmem:s3+$0x3F60] =	vst.add.f32.msk $0xffff, v6  }
0x20f: {  	p3 =	por p2, p2;
	v6 =	vld [tilespmem:s3+$0x9F70]  }
.Ltmp10:
0x210: {  	[tilespmem:s3+$0x3FE0] =	vst.add.f32.msk $0xffff, v62;
	(pc) =	sbr.rel @p3 .LBB2_13-.Ltmp10, $4  }
0x211: {  	[tilespmem:s3+$0x3E70] =	vst.add.f32.msk $0xffff, v8  }
0x212: {  	[tilespmem:s3+$0x3FF0] =	vst.add.f32.msk $0xffff, v63  }
0x213: {  	[tilespmem:s3+$0x3EF0] =	vst.add.f32.msk $0xffff, v7  }
0x214: {  	p2 =	por $0x0, $0x0;
	[tilespmem:s3+$0x3F70] =	vst.add.f32.msk $0xffff, v6;
	s3 =	simm.s32 $0x200  }
.Ltmp11:
0x215: {  	s3 =	rddreg [dreg:$0xc];
	(pc) =	sbr.rel .LBB2_15-.Ltmp11, $4  }
0x216: {  	[hbm4b:s3+s5] =	stream.linear.scatter [tilespmem:s20], [sflag:$0xD], $0x400, $0x38;
	[tilespmem:$0x1BE00] =	vst v63  }
0x217: {  	_ =	swait.ge [sflag:s18], $0x400  }
0x218: {  	[sflag:s18] =	ssyncset.done $0x0  }
0x219: {  	[sflag:s18] =	ssyncadd.s32 $0xFFFFFC00  }
.LBB2_16:
0x21a: {  	_ =	sfence.sel $0x180000  }
0x21b: {  	[bflag:$0x0] =	sbarrier.arrive $0xFFFF  }
0x21c: {  	_ =	strace $0x90000047  }
0x21d: {  	[bflag:$0x2] =	sbarrier.arrive $0xFFFF  }
0x21e: {  	p0 =	sne.s32 s0, $0x0;
	s0 =	rddreg [dreg:$0x5]  }
0x21f: {  	s0 =	sadd.s32 @!p0 $0x100000, s0  }
0x220: {  	[sflag:s0] =	ssyncadd.tile.s32 @!p0 $0x1;
	_ =	shalt  }
.Lfunc_end2:
_tile_overlayer_lowered:
.L_overlay_start_2:
0x221: {  	(tag) =	ssettag $0x2  }
0x222: {  	s0 =	rddreg [dreg:$0x0];
	s2 =	stileid.u32  }
0x223: {  	s1 =	rddreg [dreg:$0x1];
	p0 =	sne.s32 s2, $0x0  }
0x224: {  	s3 =	rddreg [dreg:$0x2];
	[bflag:$0x3] =	sbarrier.arrive $0xFFFF;
	s2 =	simm.s32 @!p0 $0x1C0D  }
0x225: {  	[timem:s3], [sflag:s2] =	dma.local @!p0 [hbm:s0], s1  }
0x226: {  	s0 =	simm.s32 @!p0 $0xD  }
0x227: {  	_ =	swait.ge @!p0 [sflag:s0], s1  }
0x228: {  	s1 =	ssub.s32 @!p0 $0x0, s1;
	[sflag:s0] =	ssyncset.done @!p0 $0x0  }
0x229: {  	[sflag:s0] =	ssyncadd.s32 @!p0 s1  }
0x22a: {  	[bflag:$0x3] =	sbarrier.arrive $0xFFFF  }
0x22b: {  	_ =	shalt  }

</sc_bundles>
